<compile_context>
chip_gen: v7x
topology: tpu7x:2x2x1
jax: 0.10.2.dev20260603
libtpu: 0.0.44.dev20260713+nightly
codegen_flags: <defaults>
</compile_context>

<pallas_src>
import functools

import jax
import jax.numpy as jnp
from jax import lax
from jax.experimental import pallas as pl
from jax.experimental.pallas import tpu as pltpu
from jax.experimental.pallas import tpu_sc as plsc

B = 16384
F = 26
V = 100000
D = 32
NUM = 13
H = 128

FA = 16
FB = F - FA

A = 24960
NJ = 5
AJ = A // NJ
TV = V - 4 * A
PR = (NJ + 1) * AJ

NW = 32
BPW = B // NW
CH = 128
G = 4


def _transpose_tables(tabT, f0, fh):

    def body(t_ref, e_ref, o_ref):
        j = pl.program_id(1)
        for jj in range(NJ):

            @pl.when(j == jj)
            def _():
                stacked = jnp.concatenate(
                    [
                        t_ref[0, :, s * A + jj * AJ : s * A + (jj + 1) * AJ]
                        for s in range(4)
                    ],
                    axis=0,
                )
                o_ref[...] = lax.dot_general(
                    stacked,
                    e_ref[...],
                    (((0,), (0,)), ((), ())),
                    preferred_element_type=jnp.float32,
                )

        @pl.when(j == NJ)
        def _():
            tail = lax.dot_general(
                t_ref[0, :, 4 * A : V],
                e_ref[0:D, :],
                (((0,), (0,)), ((), ())),
                preferred_element_type=jnp.float32,
            )
            o_ref[0:TV, :] = tail

    return pl.pallas_call(
        body,
        grid=(fh, NJ + 1),
        in_specs=[
            pl.BlockSpec((1, D, V), lambda f, j: (f + f0, 0, 0)),
            pl.BlockSpec((4 * D, 4 * D), lambda f, j: (0, 0)),
        ],
        out_specs=pl.BlockSpec((AJ, 4 * D), lambda f, j: (f * (NJ + 1) + j, 0)),
        out_shape=jax.ShapeDtypeStruct((fh * (NJ + 1) * AJ, 4 * D), jnp.float32),
    )(tabT, jnp.eye(4 * D, dtype=jnp.float32))


def _sc_gather(cat3, tab2, fh):
    NCH = BPW * fh // CH
    NG = NCH // G
    mesh = plsc.VectorSubcoreMesh(core_axis_name="c", subcore_axis_name="s")

    @functools.partial(
        pl.kernel,
        mesh=mesh,
        compiler_params=pltpu.CompilerParams(use_tc_tiling_on_sc=False),
        out_type=jax.ShapeDtypeStruct((NW, NG, G, CH, D), jnp.float32),
        scratch_types=[
            pltpu.VMEM((NCH, CH), jnp.int32),
            pltpu.VMEM((G, CH, D), jnp.float32),
            pltpu.VMEM((G, CH, D), jnp.float32),
            pltpu.SemaphoreType.DMA,
            pltpu.SemaphoreType.DMA,
        ],
    )
    def k(cat_h, tab_h, out_h, idx_v, buf0, buf1, sem0, sem1):
        wid = lax.axis_index("s") * 2 + lax.axis_index("c")
        pltpu.sync_copy(cat_h.at[wid], idx_v)

        def fire(g, buf, sem):
            return [
                pltpu.async_copy(tab_h.at[idx_v.at[g * G + j]], buf.at[j], sem)
                for j in range(G)
            ]

        def group_body(i, carry):
            g0 = i * 2
            g1 = g0 + 1
            cps0 = fire(g0, buf0, sem0)
            cps1 = fire(g1, buf1, sem1)
            for cp in cps0:
                cp.wait()
            pltpu.sync_copy(buf0, out_h.at[wid, g0])
            for cp in cps1:
                cp.wait()
            pltpu.sync_copy(buf1, out_h.at[wid, g1])
            return carry

        lax.fori_loop(0, NG // 2, group_body, 0)

    return k(cat3, tab2)


def _half_indices(v, frel):
    n = v.shape[1]
    s = v // A
    offs = jnp.asarray(frel, dtype=jnp.int32) * PR
    idx = jnp.where(
        s < 4,
        4 * (offs[None, :] + v - s * A) + s,
        4 * (offs[None, :] + v - 3 * A),
    )
    return idx.reshape(NW, BPW * n // CH, CH)


def _mlp(e1, e2, num, w1a1, w1a2, w1b, b1r, w2r, b2r):
    BLK = 1024
    EB = FB * D

    def body(e1_ref, e2_ref, n_ref, wa1_ref, wa2_ref, wb_ref, b1_ref,
             w2_ref, b2_ref, o_ref):
        e3 = e1_ref[...].reshape(BLK, 4, H)
        x = None
        for j in range(4):
            part = jnp.dot(
                e3[:, j, :],
                wa1_ref[j * H : (j + 1) * H, :],
                preferred_element_type=jnp.float32,
            )
            x = part if x is None else x + part
        x = x + jnp.dot(e2_ref[...], wa2_ref[...], preferred_element_type=jnp.float32)
        x = x + jnp.dot(n_ref[...], wb_ref[...], preferred_element_type=jnp.float32)
        x = jnp.maximum(x + b1_ref[...], 0.0)
        y = jnp.sum(x * w2_ref[...], axis=1, keepdims=True) + b2_ref[...]
        o_ref[...] = jax.nn.sigmoid(y)

    return pl.pallas_call(
        body,
        grid=(B // BLK,),
        in_specs=[
            pl.BlockSpec((BLK * 4, H), lambda i: (i, 0)),
            pl.BlockSpec((BLK, EB), lambda i: (i, 0)),
            pl.BlockSpec((BLK, NUM), lambda i: (i, 0)),
            pl.BlockSpec((FA * D, H), lambda i: (0, 0)),
            pl.BlockSpec((EB, H), lambda i: (0, 0)),
            pl.BlockSpec((NUM, H), lambda i: (0, 0)),
            pl.BlockSpec((1, H), lambda i: (0, 0)),
            pl.BlockSpec((1, H), lambda i: (0, 0)),
            pl.BlockSpec((1, 1), lambda i: (0, 0)),
        ],
        out_specs=pl.BlockSpec((BLK, 1), lambda i: (i, 0)),
        out_shape=jax.ShapeDtypeStruct((B, 1), jnp.float32),
    )(e1, e2, num, w1a1, w1a2, w1b, b1r, w2r, b2r)


def kernel(categorical_inputs, numerical_inputs, tables, W1, b1, W2, b2):
    tabT = tables.transpose(0, 2, 1)
    v = categorical_inputs.astype(jnp.int32)

    tabPA = _transpose_tables(tabT, 0, FA)
    tab2A = tabPA.reshape(FA * PR * 4, D)
    cat3A = _half_indices(v[:, :FA], list(range(FA)))
    e1 = _sc_gather(cat3A, tab2A, FA).reshape(B * 4, H)

    tabPB = _transpose_tables(tabT, FA, FB)
    tab2B = tabPB.reshape(FB * PR * 4, D)
    cat3B = _half_indices(v[:, FA:], list(range(FB)))
    e2 = _sc_gather(cat3B, tab2B, FB).reshape(B, FB * D)

    w1a1 = W1[: FA * D]
    w1a2 = W1[FA * D : F * D]
    w1b = W1[F * D :]
    return _mlp(
        e1,
        e2,
        numerical_inputs,
        w1a1,
        w1a2,
        w1b,
        b1.reshape(1, H),
        W2.reshape(1, H),
        b2.reshape(1, 1),
    )

# --- scband reference (transcript-rebuilt; emitter-appended) ---
"""Pipeline reference for scband-mixed-input-model-18021682774708 (READ-ONLY COPY).

The authoritative reference and input builder live on the scoring server;
editing this copy changes nothing except your own understanding.
"""

import jax, jax.numpy as jnp
import numpy as np

B = 16384
F = 26
V = 100000
D = 32
NUM = 13
H = 128
OUT = 1

def setup_inputs(seed: int = 0) -> dict:
    key = jax.random.key(seed)
    ks = jax.random.split(key, 8)
    categorical_inputs = jax.random.randint(ks[0], (B, F), 0, V, dtype=jnp.int64 if jax.config.read('jax_enable_x64') else jnp.int32)
    numerical_inputs = jax.random.normal(ks[1], (B, NUM), dtype=jnp.float32)
    tables = jax.random.normal(ks[2], (F, V, D), dtype=jnp.float32) * 0.01
    W1 = jax.random.normal(ks[3], (F * D + NUM, H), dtype=jnp.float32) * 0.02
    b1 = jnp.zeros((H,), dtype=jnp.float32)
    W2 = jax.random.normal(ks[4], (H, OUT), dtype=jnp.float32) * 0.02
    b2 = jnp.zeros((OUT,), dtype=jnp.float32)
    return {
        'categorical_inputs': categorical_inputs,
        'numerical_inputs': numerical_inputs,
        'tables': tables,
        'W1': W1,
        'b1': b1,
        'W2': W2,
        'b2': b2,
    }

def reference(categorical_inputs, numerical_inputs, tables, W1, b1, W2, b2):
    # Per-field embedding lookup: tables[i][categorical_inputs[:, i]] for each field i
    gather = jax.vmap(lambda t, idx: jnp.take(t, idx, axis=0), in_axes=(0, 1), out_axes=1)
    embs = gather(tables, categorical_inputs)          # [B, F, D]
    categorical_embeds = embs.reshape(B, F * D)        # concat along feature dim
    combined = jnp.concatenate((categorical_embeds, numerical_inputs), axis=1)
    x = jax.nn.relu(combined @ W1 + b1)
    x = jax.nn.sigmoid(x @ W2 + b2)
    return x

if __name__ == "__main__":
    import jax
    _d = setup_inputs()
    print(jax.jit(kernel)(*tuple(_d.values())))

</pallas_src>

<mosaic_0001>
#map = affine_map<(d0, d1) -> (0, 0, 0)>
#map1 = affine_map<(d0, d1) -> (0, 0)>
#map2 = affine_map<(d0, d1) -> (0, 0, 0, 0, 0)>
module attributes {stable_mosaic.version = 14 : i64} {
  func.func @k(%arg0: i32, %arg1: i32, %arg2: memref<32x64x128xi32, #tpu.memory_space<hbm>>, %arg3: memref<1916928x32xf32, #tpu.memory_space<hbm>>, %arg4: memref<32x16x4x128x32xf32, #tpu.memory_space<hbm>>, %arg5: memref<64x128xi32, #tpu.memory_space<vmem>>, %arg6: memref<4x128x32xf32, #tpu.memory_space<vmem>>, %arg7: memref<4x128x32xf32, #tpu.memory_space<vmem>>, %arg8: memref<!tpu.dma_semaphore, #tpu.memory_space<semaphore_mem>>, %arg9: memref<!tpu.dma_semaphore, #tpu.memory_space<semaphore_mem>>) attributes {dimension_semantics = [#tpu.dimension_semantics<core_parallel>, #tpu.dimension_semantics<subcore_parallel>], iteration_bounds = array<i64: 2, 16>, scalar_prefetch = 0 : i64, scratch_operands = 5 : i64, tpu.core_type = #tpu.core_type<sc_vector_subcore>, window_params = [{transform_indices = #map}, {transform_indices = #map1}, {transform_indices = #map2}]} {
    %mul3A = arith.constant 2 : i32
    %mul3A_0 = arith.muli %arg1, %mul3A : i32
    %add3A = arith.addi %mul3A_0, %arg0 : i32
    "tpu.region"() ({
      %run_scoped3A = tpu.sem_alloc : memref<!tpu.dma_semaphore, #tpu.memory_space<semaphore_mem>>
      %dma_start3A = arith.constant 0 : i32
      %dma_start3A_6 = arith.constant 0 : i32
      %dma_start3A_7 = tpu.memref_slice %arg2[%add3A, %dma_start3A, %dma_start3A_6] : memref<32x64x128xi32, #tpu.memory_space<hbm>> -> memref<1x64x128xi32, #tpu.memory_space<hbm>>
      %dma_start3A_8 = tpu.memref_squeeze %dma_start3A_7 : memref<1x64x128xi32, #tpu.memory_space<hbm>> -> memref<64x128xi32, #tpu.memory_space<hbm>>
      %dma_start3A_9 = arith.constant 0 : i32
      %dma_start3A_10 = arith.constant 0 : i32
      %dma_start3A_11 = tpu.memref_slice %arg2[%add3A, %dma_start3A_9, %dma_start3A_10] : memref<32x64x128xi32, #tpu.memory_space<hbm>> -> memref<1x64x128xi32, #tpu.memory_space<hbm>>
      %dma_start3A_12 = tpu.memref_squeeze %dma_start3A_11 : memref<1x64x128xi32, #tpu.memory_space<hbm>> -> memref<64x128xi32, #tpu.memory_space<hbm>>
      tpu.enqueue_dma source(%dma_start3A_12 : memref<64x128xi32, #tpu.memory_space<hbm>>) target(%arg5 : memref<64x128xi32, #tpu.memory_space<vmem>>) target_semaphore(%run_scoped3A : memref<!tpu.dma_semaphore, #tpu.memory_space<semaphore_mem>>)
      %dma_wait3A = arith.constant 0 : i32
      %dma_wait3A_13 = arith.constant 0 : i32
      %dma_wait3A_14 = tpu.memref_slice %arg2[%add3A, %dma_wait3A, %dma_wait3A_13] : memref<32x64x128xi32, #tpu.memory_space<hbm>> -> memref<1x64x128xi32, #tpu.memory_space<hbm>>
      %dma_wait3A_15 = tpu.memref_squeeze %dma_wait3A_14 : memref<1x64x128xi32, #tpu.memory_space<hbm>> -> memref<64x128xi32, #tpu.memory_space<hbm>>
      %dma_wait3A_16 = arith.constant 0 : i32
      %dma_wait3A_17 = arith.constant 0 : i32
      %dma_wait3A_18 = tpu.memref_slice %arg2[%add3A, %dma_wait3A_16, %dma_wait3A_17] : memref<32x64x128xi32, #tpu.memory_space<hbm>> -> memref<1x64x128xi32, #tpu.memory_space<hbm>>
      %dma_wait3A_19 = tpu.memref_squeeze %dma_wait3A_18 : memref<1x64x128xi32, #tpu.memory_space<hbm>> -> memref<64x128xi32, #tpu.memory_space<hbm>>
      tpu.wait_dma2 semaphore(%run_scoped3A : memref<!tpu.dma_semaphore, #tpu.memory_space<semaphore_mem>>) src(%dma_wait3A_19 : memref<64x128xi32, #tpu.memory_space<hbm>>) dst(%arg5 : memref<64x128xi32, #tpu.memory_space<vmem>>)
      tpu.yield
    }) : () -> ()
    %scan3A = arith.constant 0 : i32
    %scan3A_1 = arith.constant 0 : i32
    %scan3A_2 = arith.constant 8 : i32
    %scan3A_3 = arith.addi %scan3A_1, %scan3A_2 : i32
    %scan3A_4 = arith.constant 1 : i32
    scf.for %scan3A_6 = %scan3A_1 to %scan3A_3 step %scan3A_4  : i32 {
      %mul3A_7 = arith.constant 2 : i32
      %mul3A_8 = arith.muli %scan3A_6, %mul3A_7 : i32
      %add3A_9 = arith.constant 1 : i32
      %add3A_10 = arith.addi %mul3A_8, %add3A_9 : i32
      %mul3A_11 = arith.constant 4 : i32
      %mul3A_12 = arith.muli %mul3A_8, %mul3A_11 : i32
      %add3A_13 = arith.constant 0 : i32
      %add3A_14 = arith.addi %mul3A_12, %add3A_13 : i32
      %dma_start3A = arith.constant 0 : i32
      %dma_start3A_15 = arith.constant 0 : i32
      %dma_start3A_16 = arith.constant 0 : i32
      %dma_start3A_17 = tpu.memref_slice %arg6[%dma_start3A, %dma_start3A_15, %dma_start3A_16] : memref<4x128x32xf32, #tpu.memory_space<vmem>> -> memref<1x128x32xf32, #tpu.memory_space<vmem>>
      %dma_start3A_18 = tpu.memref_squeeze %dma_start3A_17 : memref<1x128x32xf32, #tpu.memory_space<vmem>> -> memref<128x32xf32, #tpu.memory_space<vmem>>
      %dma_start3A_19 = arith.constant 0 : i32
      %dma_start3A_20 = tpu.memref_slice %arg5[%add3A_14, %dma_start3A_19] : memref<64x128xi32, #tpu.memory_space<vmem>> -> memref<1x128xi32, #tpu.memory_space<vmem>>
      %dma_start3A_21 = tpu.memref_squeeze %dma_start3A_20 : memref<1x128xi32, #tpu.memory_space<vmem>> -> memref<128xi32, #tpu.memory_space<vmem>>
      %dma_start3A_22 = arith.constant 0 : i32
      %dma_start3A_23 = arith.constant 0 : i32
      %dma_start3A_24 = tpu.memref_slice %arg3[%dma_start3A_22, %dma_start3A_23] : memref<1916928x32xf32, #tpu.memory_space<hbm>> -> memref<1916928x32xf32, #tpu.memory_space<hbm>>
      tpu.enqueue_indirect_dma source(%dma_start3A_24 : memref<1916928x32xf32, #tpu.memory_space<hbm>>) target(%dma_start3A_18 : memref<128x32xf32, #tpu.memory_space<vmem>>) offsets(%dma_start3A_21 : memref<128xi32, #tpu.memory_space<vmem>>) semaphore(%arg8 : memref<!tpu.dma_semaphore, #tpu.memory_space<semaphore_mem>>)
      %mul3A_25 = arith.constant 4 : i32
      %mul3A_26 = arith.muli %mul3A_8, %mul3A_25 : i32
      %add3A_27 = arith.constant 1 : i32
      %add3A_28 = arith.addi %mul3A_26, %add3A_27 : i32
      %dma_start3A_29 = arith.constant 1 : i32
      %dma_start3A_30 = arith.constant 0 : i32
      %dma_start3A_31 = arith.constant 0 : i32
      %dma_start3A_32 = tpu.memref_slice %arg6[%dma_start3A_29, %dma_start3A_30, %dma_start3A_31] : memref<4x128x32xf32, #tpu.memory_space<vmem>> -> memref<1x128x32xf32, #tpu.memory_space<vmem>>
      %dma_start3A_33 = tpu.memref_squeeze %dma_start3A_32 : memref<1x128x32xf32, #tpu.memory_space<vmem>> -> memref<128x32xf32, #tpu.memory_space<vmem>>
      %dma_start3A_34 = arith.constant 0 : i32
      %dma_start3A_35 = tpu.memref_slice %arg5[%add3A_28, %dma_start3A_34] : memref<64x128xi32, #tpu.memory_space<vmem>> -> memref<1x128xi32, #tpu.memory_space<vmem>>
      %dma_start3A_36 = tpu.memref_squeeze %dma_start3A_35 : memref<1x128xi32, #tpu.memory_space<vmem>> -> memref<128xi32, #tpu.memory_space<vmem>>
      %dma_start3A_37 = arith.constant 0 : i32
      %dma_start3A_38 = arith.constant 0 : i32
      %dma_start3A_39 = tpu.memref_slice %arg3[%dma_start3A_37, %dma_start3A_38] : memref<1916928x32xf32, #tpu.memory_space<hbm>> -> memref<1916928x32xf32, #tpu.memory_space<hbm>>
      tpu.enqueue_indirect_dma source(%dma_start3A_39 : memref<1916928x32xf32, #tpu.memory_space<hbm>>) target(%dma_start3A_33 : memref<128x32xf32, #tpu.memory_space<vmem>>) offsets(%dma_start3A_36 : memref<128xi32, #tpu.memory_space<vmem>>) semaphore(%arg8 : memref<!tpu.dma_semaphore, #tpu.memory_space<semaphore_mem>>)
      %mul3A_40 = arith.constant 4 : i32
      %mul3A_41 = arith.muli %mul3A_8, %mul3A_40 : i32
      %add3A_42 = arith.constant 2 : i32
      %add3A_43 = arith.addi %mul3A_41, %add3A_42 : i32
      %dma_start3A_44 = arith.constant 2 : i32
      %dma_start3A_45 = arith.constant 0 : i32
      %dma_start3A_46 = arith.constant 0 : i32
      %dma_start3A_47 = tpu.memref_slice %arg6[%dma_start3A_44, %dma_start3A_45, %dma_start3A_46] : memref<4x128x32xf32, #tpu.memory_space<vmem>> -> memref<1x128x32xf32, #tpu.memory_space<vmem>>
      %dma_start3A_48 = tpu.memref_squeeze %dma_start3A_47 : memref<1x128x32xf32, #tpu.memory_space<vmem>> -> memref<128x32xf32, #tpu.memory_space<vmem>>
      %dma_start3A_49 = arith.constant 0 : i32
      %dma_start3A_50 = tpu.memref_slice %arg5[%add3A_43, %dma_start3A_49] : memref<64x128xi32, #tpu.memory_space<vmem>> -> memref<1x128xi32, #tpu.memory_space<vmem>>
      %dma_start3A_51 = tpu.memref_squeeze %dma_start3A_50 : memref<1x128xi32, #tpu.memory_space<vmem>> -> memref<128xi32, #tpu.memory_space<vmem>>
      %dma_start3A_52 = arith.constant 0 : i32
      %dma_start3A_53 = arith.constant 0 : i32
      %dma_start3A_54 = tpu.memref_slice %arg3[%dma_start3A_52, %dma_start3A_53] : memref<1916928x32xf32, #tpu.memory_space<hbm>> -> memref<1916928x32xf32, #tpu.memory_space<hbm>>
      tpu.enqueue_indirect_dma source(%dma_start3A_54 : memref<1916928x32xf32, #tpu.memory_space<hbm>>) target(%dma_start3A_48 : memref<128x32xf32, #tpu.memory_space<vmem>>) offsets(%dma_start3A_51 : memref<128xi32, #tpu.memory_space<vmem>>) semaphore(%arg8 : memref<!tpu.dma_semaphore, #tpu.memory_space<semaphore_mem>>)
      %mul3A_55 = arith.constant 4 : i32
      %mul3A_56 = arith.muli %mul3A_8, %mul3A_55 : i32
      %add3A_57 = arith.constant 3 : i32
      %add3A_58 = arith.addi %mul3A_56, %add3A_57 : i32
      %dma_start3A_59 = arith.constant 3 : i32
      %dma_start3A_60 = arith.constant 0 : i32
      %dma_start3A_61 = arith.constant 0 : i32
      %dma_start3A_62 = tpu.memref_slice %arg6[%dma_start3A_59, %dma_start3A_60, %dma_start3A_61] : memref<4x128x32xf32, #tpu.memory_space<vmem>> -> memref<1x128x32xf32, #tpu.memory_space<vmem>>
      %dma_start3A_63 = tpu.memref_squeeze %dma_start3A_62 : memref<1x128x32xf32, #tpu.memory_space<vmem>> -> memref<128x32xf32, #tpu.memory_space<vmem>>
      %dma_start3A_64 = arith.constant 0 : i32
      %dma_start3A_65 = tpu.memref_slice %arg5[%add3A_58, %dma_start3A_64] : memref<64x128xi32, #tpu.memory_space<vmem>> -> memref<1x128xi32, #tpu.memory_space<vmem>>
      %dma_start3A_66 = tpu.memref_squeeze %dma_start3A_65 : memref<1x128xi32, #tpu.memory_space<vmem>> -> memref<128xi32, #tpu.memory_space<vmem>>
      %dma_start3A_67 = arith.constant 0 : i32
      %dma_start3A_68 = arith.constant 0 : i32
      %dma_start3A_69 = tpu.memref_slice %arg3[%dma_start3A_67, %dma_start3A_68] : memref<1916928x32xf32, #tpu.memory_space<hbm>> -> memref<1916928x32xf32, #tpu.memory_space<hbm>>
      tpu.enqueue_indirect_dma source(%dma_start3A_69 : memref<1916928x32xf32, #tpu.memory_space<hbm>>) target(%dma_start3A_63 : memref<128x32xf32, #tpu.memory_space<vmem>>) offsets(%dma_start3A_66 : memref<128xi32, #tpu.memory_space<vmem>>) semaphore(%arg8 : memref<!tpu.dma_semaphore, #tpu.memory_space<semaphore_mem>>)
      %mul3A_70 = arith.constant 4 : i32
      %mul3A_71 = arith.muli %add3A_10, %mul3A_70 : i32
      %add3A_72 = arith.constant 0 : i32
      %add3A_73 = arith.addi %mul3A_71, %add3A_72 : i32
      %dma_start3A_74 = arith.constant 0 : i32
      %dma_start3A_75 = arith.constant 0 : i32
      %dma_start3A_76 = arith.constant 0 : i32
      %dma_start3A_77 = tpu.memref_slice %arg7[%dma_start3A_74, %dma_start3A_75, %dma_start3A_76] : memref<4x128x32xf32, #tpu.memory_space<vmem>> -> memref<1x128x32xf32, #tpu.memory_space<vmem>>
      %dma_start3A_78 = tpu.memref_squeeze %dma_start3A_77 : memref<1x128x32xf32, #tpu.memory_space<vmem>> -> memref<128x32xf32, #tpu.memory_space<vmem>>
      %dma_start3A_79 = arith.constant 0 : i32
      %dma_start3A_80 = tpu.memref_slice %arg5[%add3A_73, %dma_start3A_79] : memref<64x128xi32, #tpu.memory_space<vmem>> -> memref<1x128xi32, #tpu.memory_space<vmem>>
      %dma_start3A_81 = tpu.memref_squeeze %dma_start3A_80 : memref<1x128xi32, #tpu.memory_space<vmem>> -> memref<128xi32, #tpu.memory_space<vmem>>
      %dma_start3A_82 = arith.constant 0 : i32
      %dma_start3A_83 = arith.constant 0 : i32
      %dma_start3A_84 = tpu.memref_slice %arg3[%dma_start3A_82, %dma_start3A_83] : memref<1916928x32xf32, #tpu.memory_space<hbm>> -> memref<1916928x32xf32, #tpu.memory_space<hbm>>
      tpu.enqueue_indirect_dma source(%dma_start3A_84 : memref<1916928x32xf32, #tpu.memory_space<hbm>>) target(%dma_start3A_78 : memref<128x32xf32, #tpu.memory_space<vmem>>) offsets(%dma_start3A_81 : memref<128xi32, #tpu.memory_space<vmem>>) semaphore(%arg9 : memref<!tpu.dma_semaphore, #tpu.memory_space<semaphore_mem>>)
      %mul3A_85 = arith.constant 4 : i32
      %mul3A_86 = arith.muli %add3A_10, %mul3A_85 : i32
      %add3A_87 = arith.constant 1 : i32
      %add3A_88 = arith.addi %mul3A_86, %add3A_87 : i32
      %dma_start3A_89 = arith.constant 1 : i32
      %dma_start3A_90 = arith.constant 0 : i32
      %dma_start3A_91 = arith.constant 0 : i32
      %dma_start3A_92 = tpu.memref_slice %arg7[%dma_start3A_89, %dma_start3A_90, %dma_start3A_91] : memref<4x128x32xf32, #tpu.memory_space<vmem>> -> memref<1x128x32xf32, #tpu.memory_space<vmem>>
      %dma_start3A_93 = tpu.memref_squeeze %dma_start3A_92 : memref<1x128x32xf32, #tpu.memory_space<vmem>> -> memref<128x32xf32, #tpu.memory_space<vmem>>
      %dma_start3A_94 = arith.constant 0 : i32
      %dma_start3A_95 = tpu.memref_slice %arg5[%add3A_88, %dma_start3A_94] : memref<64x128xi32, #tpu.memory_space<vmem>> -> memref<1x128xi32, #tpu.memory_space<vmem>>
      %dma_start3A_96 = tpu.memref_squeeze %dma_start3A_95 : memref<1x128xi32, #tpu.memory_space<vmem>> -> memref<128xi32, #tpu.memory_space<vmem>>
      %dma_start3A_97 = arith.constant 0 : i32
      %dma_start3A_98 = arith.constant 0 : i32
      %dma_start3A_99 = tpu.memref_slice %arg3[%dma_start3A_97, %dma_start3A_98] : memref<1916928x32xf32, #tpu.memory_space<hbm>> -> memref<1916928x32xf32, #tpu.memory_space<hbm>>
      tpu.enqueue_indirect_dma source(%dma_start3A_99 : memref<1916928x32xf32, #tpu.memory_space<hbm>>) target(%dma_start3A_93 : memref<128x32xf32, #tpu.memory_space<vmem>>) offsets(%dma_start3A_96 : memref<128xi32, #tpu.memory_space<vmem>>) semaphore(%arg9 : memref<!tpu.dma_semaphore, #tpu.memory_space<semaphore_mem>>)
      %mul3A_100 = arith.constant 4 : i32
      %mul3A_101 = arith.muli %add3A_10, %mul3A_100 : i32
      %add3A_102 = arith.constant 2 : i32
      %add3A_103 = arith.addi %mul3A_101, %add3A_102 : i32
      %dma_start3A_104 = arith.constant 2 : i32
      %dma_start3A_105 = arith.constant 0 : i32
      %dma_start3A_106 = arith.constant 0 : i32
      %dma_start3A_107 = tpu.memref_slice %arg7[%dma_start3A_104, %dma_start3A_105, %dma_start3A_106] : memref<4x128x32xf32, #tpu.memory_space<vmem>> -> memref<1x128x32xf32, #tpu.memory_space<vmem>>
      %dma_start3A_108 = tpu.memref_squeeze %dma_start3A_107 : memref<1x128x32xf32, #tpu.memory_space<vmem>> -> memref<128x32xf32, #tpu.memory_space<vmem>>
      %dma_start3A_109 = arith.constant 0 : i32
      %dma_start3A_110 = tpu.memref_slice %arg5[%add3A_103, %dma_start3A_109] : memref<64x128xi32, #tpu.memory_space<vmem>> -> memref<1x128xi32, #tpu.memory_space<vmem>>
      %dma_start3A_111 = tpu.memref_squeeze %dma_start3A_110 : memref<1x128xi32, #tpu.memory_space<vmem>> -> memref<128xi32, #tpu.memory_space<vmem>>
      %dma_start3A_112 = arith.constant 0 : i32
      %dma_start3A_113 = arith.constant 0 : i32
      %dma_start3A_114 = tpu.memref_slice %arg3[%dma_start3A_112, %dma_start3A_113] : memref<1916928x32xf32, #tpu.memory_space<hbm>> -> memref<1916928x32xf32, #tpu.memory_space<hbm>>
      tpu.enqueue_indirect_dma source(%dma_start3A_114 : memref<1916928x32xf32, #tpu.memory_space<hbm>>) target(%dma_start3A_108 : memref<128x32xf32, #tpu.memory_space<vmem>>) offsets(%dma_start3A_111 : memref<128xi32, #tpu.memory_space<vmem>>) semaphore(%arg9 : memref<!tpu.dma_semaphore, #tpu.memory_space<semaphore_mem>>)
      %mul3A_115 = arith.constant 4 : i32
      %mul3A_116 = arith.muli %add3A_10, %mul3A_115 : i32
      %add3A_117 = arith.constant 3 : i32
      %add3A_118 = arith.addi %mul3A_116, %add3A_117 : i32
      %dma_start3A_119 = arith.constant 3 : i32
      %dma_start3A_120 = arith.constant 0 : i32
      %dma_start3A_121 = arith.constant 0 : i32
      %dma_start3A_122 = tpu.memref_slice %arg7[%dma_start3A_119, %dma_start3A_120, %dma_start3A_121] : memref<4x128x32xf32, #tpu.memory_space<vmem>> -> memref<1x128x32xf32, #tpu.memory_space<vmem>>
      %dma_start3A_123 = tpu.memref_squeeze %dma_start3A_122 : memref<1x128x32xf32, #tpu.memory_space<vmem>> -> memref<128x32xf32, #tpu.memory_space<vmem>>
      %dma_start3A_124 = arith.constant 0 : i32
      %dma_start3A_125 = tpu.memref_slice %arg5[%add3A_118, %dma_start3A_124] : memref<64x128xi32, #tpu.memory_space<vmem>> -> memref<1x128xi32, #tpu.memory_space<vmem>>
      %dma_start3A_126 = tpu.memref_squeeze %dma_start3A_125 : memref<1x128xi32, #tpu.memory_space<vmem>> -> memref<128xi32, #tpu.memory_space<vmem>>
      %dma_start3A_127 = arith.constant 0 : i32
      %dma_start3A_128 = arith.constant 0 : i32
      %dma_start3A_129 = tpu.memref_slice %arg3[%dma_start3A_127, %dma_start3A_128] : memref<1916928x32xf32, #tpu.memory_space<hbm>> -> memref<1916928x32xf32, #tpu.memory_space<hbm>>
      tpu.enqueue_indirect_dma source(%dma_start3A_129 : memref<1916928x32xf32, #tpu.memory_space<hbm>>) target(%dma_start3A_123 : memref<128x32xf32, #tpu.memory_space<vmem>>) offsets(%dma_start3A_126 : memref<128xi32, #tpu.memory_space<vmem>>) semaphore(%arg9 : memref<!tpu.dma_semaphore, #tpu.memory_space<semaphore_mem>>)
      %dma_wait3A = arith.constant 0 : i32
      %dma_wait3A_130 = arith.constant 0 : i32
      %dma_wait3A_131 = arith.constant 0 : i32
      %dma_wait3A_132 = tpu.memref_slice %arg6[%dma_wait3A, %dma_wait3A_130, %dma_wait3A_131] : memref<4x128x32xf32, #tpu.memory_space<vmem>> -> memref<1x128x32xf32, #tpu.memory_space<vmem>>
      %dma_wait3A_133 = tpu.memref_squeeze %dma_wait3A_132 : memref<1x128x32xf32, #tpu.memory_space<vmem>> -> memref<128x32xf32, #tpu.memory_space<vmem>>
      %dma_wait3A_134 = arith.constant 0 : i32
      %dma_wait3A_135 = tpu.memref_slice %arg5[%add3A_14, %dma_wait3A_134] : memref<64x128xi32, #tpu.memory_space<vmem>> -> memref<1x128xi32, #tpu.memory_space<vmem>>
      %dma_wait3A_136 = tpu.memref_squeeze %dma_wait3A_135 : memref<1x128xi32, #tpu.memory_space<vmem>> -> memref<128xi32, #tpu.memory_space<vmem>>
      %dma_wait3A_137 = arith.constant 0 : i32
      %dma_wait3A_138 = arith.constant 0 : i32
      %dma_wait3A_139 = tpu.memref_slice %arg3[%dma_wait3A_137, %dma_wait3A_138] : memref<1916928x32xf32, #tpu.memory_space<hbm>> -> memref<1916928x32xf32, #tpu.memory_space<hbm>>
      tpu.wait_indirect_dma semaphore(%arg8 : memref<!tpu.dma_semaphore, #tpu.memory_space<semaphore_mem>>) src(%dma_wait3A_139 : memref<1916928x32xf32, #tpu.memory_space<hbm>>) dst(%dma_wait3A_133 : memref<128x32xf32, #tpu.memory_space<vmem>>)
      %dma_wait3A_140 = arith.constant 1 : i32
      %dma_wait3A_141 = arith.constant 0 : i32
      %dma_wait3A_142 = arith.constant 0 : i32
      %dma_wait3A_143 = tpu.memref_slice %arg6[%dma_wait3A_140, %dma_wait3A_141, %dma_wait3A_142] : memref<4x128x32xf32, #tpu.memory_space<vmem>> -> memref<1x128x32xf32, #tpu.memory_space<vmem>>
      %dma_wait3A_144 = tpu.memref_squeeze %dma_wait3A_143 : memref<1x128x32xf32, #tpu.memory_space<vmem>> -> memref<128x32xf32, #tpu.memory_space<vmem>>
      %dma_wait3A_145 = arith.constant 0 : i32
      %dma_wait3A_146 = tpu.memref_slice %arg5[%add3A_28, %dma_wait3A_145] : memref<64x128xi32, #tpu.memory_space<vmem>> -> memref<1x128xi32, #tpu.memory_space<vmem>>
      %dma_wait3A_147 = tpu.memref_squeeze %dma_wait3A_146 : memref<1x128xi32, #tpu.memory_space<vmem>> -> memref<128xi32, #tpu.memory_space<vmem>>
      %dma_wait3A_148 = arith.constant 0 : i32
      %dma_wait3A_149 = arith.constant 0 : i32
      %dma_wait3A_150 = tpu.memref_slice %arg3[%dma_wait3A_148, %dma_wait3A_149] : memref<1916928x32xf32, #tpu.memory_space<hbm>> -> memref<1916928x32xf32, #tpu.memory_space<hbm>>
      tpu.wait_indirect_dma semaphore(%arg8 : memref<!tpu.dma_semaphore, #tpu.memory_space<semaphore_mem>>) src(%dma_wait3A_150 : memref<1916928x32xf32, #tpu.memory_space<hbm>>) dst(%dma_wait3A_144 : memref<128x32xf32, #tpu.memory_space<vmem>>)
      %dma_wait3A_151 = arith.constant 2 : i32
      %dma_wait3A_152 = arith.constant 0 : i32
      %dma_wait3A_153 = arith.constant 0 : i32
      %dma_wait3A_154 = tpu.memref_slice %arg6[%dma_wait3A_151, %dma_wait3A_152, %dma_wait3A_153] : memref<4x128x32xf32, #tpu.memory_space<vmem>> -> memref<1x128x32xf32, #tpu.memory_space<vmem>>
      %dma_wait3A_155 = tpu.memref_squeeze %dma_wait3A_154 : memref<1x128x32xf32, #tpu.memory_space<vmem>> -> memref<128x32xf32, #tpu.memory_space<vmem>>
      %dma_wait3A_156 = arith.constant 0 : i32
      %dma_wait3A_157 = tpu.memref_slice %arg5[%add3A_43, %dma_wait3A_156] : memref<64x128xi32, #tpu.memory_space<vmem>> -> memref<1x128xi32, #tpu.memory_space<vmem>>
      %dma_wait3A_158 = tpu.memref_squeeze %dma_wait3A_157 : memref<1x128xi32, #tpu.memory_space<vmem>> -> memref<128xi32, #tpu.memory_space<vmem>>
      %dma_wait3A_159 = arith.constant 0 : i32
      %dma_wait3A_160 = arith.constant 0 : i32
      %dma_wait3A_161 = tpu.memref_slice %arg3[%dma_wait3A_159, %dma_wait3A_160] : memref<1916928x32xf32, #tpu.memory_space<hbm>> -> memref<1916928x32xf32, #tpu.memory_space<hbm>>
      tpu.wait_indirect_dma semaphore(%arg8 : memref<!tpu.dma_semaphore, #tpu.memory_space<semaphore_mem>>) src(%dma_wait3A_161 : memref<1916928x32xf32, #tpu.memory_space<hbm>>) dst(%dma_wait3A_155 : memref<128x32xf32, #tpu.memory_space<vmem>>)
      %dma_wait3A_162 = arith.constant 3 : i32
      %dma_wait3A_163 = arith.constant 0 : i32
      %dma_wait3A_164 = arith.constant 0 : i32
      %dma_wait3A_165 = tpu.memref_slice %arg6[%dma_wait3A_162, %dma_wait3A_163, %dma_wait3A_164] : memref<4x128x32xf32, #tpu.memory_space<vmem>> -> memref<1x128x32xf32, #tpu.memory_space<vmem>>
      %dma_wait3A_166 = tpu.memref_squeeze %dma_wait3A_165 : memref<1x128x32xf32, #tpu.memory_space<vmem>> -> memref<128x32xf32, #tpu.memory_space<vmem>>
      %dma_wait3A_167 = arith.constant 0 : i32
      %dma_wait3A_168 = tpu.memref_slice %arg5[%add3A_58, %dma_wait3A_167] : memref<64x128xi32, #tpu.memory_space<vmem>> -> memref<1x128xi32, #tpu.memory_space<vmem>>
      %dma_wait3A_169 = tpu.memref_squeeze %dma_wait3A_168 : memref<1x128xi32, #tpu.memory_space<vmem>> -> memref<128xi32, #tpu.memory_space<vmem>>
      %dma_wait3A_170 = arith.constant 0 : i32
      %dma_wait3A_171 = arith.constant 0 : i32
      %dma_wait3A_172 = tpu.memref_slice %arg3[%dma_wait3A_170, %dma_wait3A_171] : memref<1916928x32xf32, #tpu.memory_space<hbm>> -> memref<1916928x32xf32, #tpu.memory_space<hbm>>
      tpu.wait_indirect_dma semaphore(%arg8 : memref<!tpu.dma_semaphore, #tpu.memory_space<semaphore_mem>>) src(%dma_wait3A_172 : memref<1916928x32xf32, #tpu.memory_space<hbm>>) dst(%dma_wait3A_166 : memref<128x32xf32, #tpu.memory_space<vmem>>)
      "tpu.region"() ({
        %run_scoped3A = tpu.sem_alloc : memref<!tpu.dma_semaphore, #tpu.memory_space<semaphore_mem>>
        %dma_start3A_217 = arith.constant 0 : i32
        %dma_start3A_218 = arith.constant 0 : i32
        %dma_start3A_219 = arith.constant 0 : i32
        %dma_start3A_220 = tpu.memref_slice %arg4[%add3A, %mul3A_8, %dma_start3A_217, %dma_start3A_218, %dma_start3A_219] : memref<32x16x4x128x32xf32, #tpu.memory_space<hbm>> -> memref<1x1x4x128x32xf32, #tpu.memory_space<hbm>>
        %dma_start3A_221 = tpu.memref_squeeze %dma_start3A_220 : memref<1x1x4x128x32xf32, #tpu.memory_space<hbm>> -> memref<4x128x32xf32, #tpu.memory_space<hbm>>
        %dma_start3A_222 = arith.constant 0 : i32
        %dma_start3A_223 = arith.constant 0 : i32
        %dma_start3A_224 = arith.constant 0 : i32
        %dma_start3A_225 = tpu.memref_slice %arg4[%add3A, %mul3A_8, %dma_start3A_222, %dma_start3A_223, %dma_start3A_224] : memref<32x16x4x128x32xf32, #tpu.memory_space<hbm>> -> memref<1x1x4x128x32xf32, #tpu.memory_space<hbm>>
        %dma_start3A_226 = tpu.memref_squeeze %dma_start3A_225 : memref<1x1x4x128x32xf32, #tpu.memory_space<hbm>> -> memref<4x128x32xf32, #tpu.memory_space<hbm>>
        tpu.enqueue_dma source(%arg6 : memref<4x128x32xf32, #tpu.memory_space<vmem>>) target(%dma_start3A_226 : memref<4x128x32xf32, #tpu.memory_space<hbm>>) target_semaphore(%run_scoped3A : memref<!tpu.dma_semaphore, #tpu.memory_space<semaphore_mem>>)
        %dma_wait3A_227 = arith.constant 0 : i32
        %dma_wait3A_228 = arith.constant 0 : i32
        %dma_wait3A_229 = arith.constant 0 : i32
        %dma_wait3A_230 = tpu.memref_slice %arg4[%add3A, %mul3A_8, %dma_wait3A_227, %dma_wait3A_228, %dma_wait3A_229] : memref<32x16x4x128x32xf32, #tpu.memory_space<hbm>> -> memref<1x1x4x128x32xf32, #tpu.memory_space<hbm>>
        %dma_wait3A_231 = tpu.memref_squeeze %dma_wait3A_230 : memref<1x1x4x128x32xf32, #tpu.memory_space<hbm>> -> memref<4x128x32xf32, #tpu.memory_space<hbm>>
        %dma_wait3A_232 = arith.constant 0 : i32
        %dma_wait3A_233 = arith.constant 0 : i32
        %dma_wait3A_234 = arith.constant 0 : i32
        %dma_wait3A_235 = tpu.memref_slice %arg4[%add3A, %mul3A_8, %dma_wait3A_232, %dma_wait3A_233, %dma_wait3A_234] : memref<32x16x4x128x32xf32, #tpu.memory_space<hbm>> -> memref<1x1x4x128x32xf32, #tpu.memory_space<hbm>>
        %dma_wait3A_236 = tpu.memref_squeeze %dma_wait3A_235 : memref<1x1x4x128x32xf32, #tpu.memory_space<hbm>> -> memref<4x128x32xf32, #tpu.memory_space<hbm>>
        tpu.wait_dma2 semaphore(%run_scoped3A : memref<!tpu.dma_semaphore, #tpu.memory_space<semaphore_mem>>) src(%arg6 : memref<4x128x32xf32, #tpu.memory_space<vmem>>) dst(%dma_wait3A_236 : memref<4x128x32xf32, #tpu.memory_space<hbm>>)
        tpu.yield
      }) : () -> ()
      %dma_wait3A_173 = arith.constant 0 : i32
      %dma_wait3A_174 = arith.constant 0 : i32
      %dma_wait3A_175 = arith.constant 0 : i32
      %dma_wait3A_176 = tpu.memref_slice %arg7[%dma_wait3A_173, %dma_wait3A_174, %dma_wait3A_175] : memref<4x128x32xf32, #tpu.memory_space<vmem>> -> memref<1x128x32xf32, #tpu.memory_space<vmem>>
      %dma_wait3A_177 = tpu.memref_squeeze %dma_wait3A_176 : memref<1x128x32xf32, #tpu.memory_space<vmem>> -> memref<128x32xf32, #tpu.memory_space<vmem>>
      %dma_wait3A_178 = arith.constant 0 : i32
      %dma_wait3A_179 = tpu.memref_slice %arg5[%add3A_73, %dma_wait3A_178] : memref<64x128xi32, #tpu.memory_space<vmem>> -> memref<1x128xi32, #tpu.memory_space<vmem>>
      %dma_wait3A_180 = tpu.memref_squeeze %dma_wait3A_179 : memref<1x128xi32, #tpu.memory_space<vmem>> -> memref<128xi32, #tpu.memory_space<vmem>>
      %dma_wait3A_181 = arith.constant 0 : i32
      %dma_wait3A_182 = arith.constant 0 : i32
      %dma_wait3A_183 = tpu.memref_slice %arg3[%dma_wait3A_181, %dma_wait3A_182] : memref<1916928x32xf32, #tpu.memory_space<hbm>> -> memref<1916928x32xf32, #tpu.memory_space<hbm>>
      tpu.wait_indirect_dma semaphore(%arg9 : memref<!tpu.dma_semaphore, #tpu.memory_space<semaphore_mem>>) src(%dma_wait3A_183 : memref<1916928x32xf32, #tpu.memory_space<hbm>>) dst(%dma_wait3A_177 : memref<128x32xf32, #tpu.memory_space<vmem>>)
      %dma_wait3A_184 = arith.constant 1 : i32
      %dma_wait3A_185 = arith.constant 0 : i32
      %dma_wait3A_186 = arith.constant 0 : i32
      %dma_wait3A_187 = tpu.memref_slice %arg7[%dma_wait3A_184, %dma_wait3A_185, %dma_wait3A_186] : memref<4x128x32xf32, #tpu.memory_space<vmem>> -> memref<1x128x32xf32, #tpu.memory_space<vmem>>
      %dma_wait3A_188 = tpu.memref_squeeze %dma_wait3A_187 : memref<1x128x32xf32, #tpu.memory_space<vmem>> -> memref<128x32xf32, #tpu.memory_space<vmem>>
      %dma_wait3A_189 = arith.constant 0 : i32
      %dma_wait3A_190 = tpu.memref_slice %arg5[%add3A_88, %dma_wait3A_189] : memref<64x128xi32, #tpu.memory_space<vmem>> -> memref<1x128xi32, #tpu.memory_space<vmem>>
      %dma_wait3A_191 = tpu.memref_squeeze %dma_wait3A_190 : memref<1x128xi32, #tpu.memory_space<vmem>> -> memref<128xi32, #tpu.memory_space<vmem>>
      %dma_wait3A_192 = arith.constant 0 : i32
      %dma_wait3A_193 = arith.constant 0 : i32
      %dma_wait3A_194 = tpu.memref_slice %arg3[%dma_wait3A_192, %dma_wait3A_193] : memref<1916928x32xf32, #tpu.memory_space<hbm>> -> memref<1916928x32xf32, #tpu.memory_space<hbm>>
      tpu.wait_indirect_dma semaphore(%arg9 : memref<!tpu.dma_semaphore, #tpu.memory_space<semaphore_mem>>) src(%dma_wait3A_194 : memref<1916928x32xf32, #tpu.memory_space<hbm>>) dst(%dma_wait3A_188 : memref<128x32xf32, #tpu.memory_space<vmem>>)
      %dma_wait3A_195 = arith.constant 2 : i32
      %dma_wait3A_196 = arith.constant 0 : i32
      %dma_wait3A_197 = arith.constant 0 : i32
      %dma_wait3A_198 = tpu.memref_slice %arg7[%dma_wait3A_195, %dma_wait3A_196, %dma_wait3A_197] : memref<4x128x32xf32, #tpu.memory_space<vmem>> -> memref<1x128x32xf32, #tpu.memory_space<vmem>>
      %dma_wait3A_199 = tpu.memref_squeeze %dma_wait3A_198 : memref<1x128x32xf32, #tpu.memory_space<vmem>> -> memref<128x32xf32, #tpu.memory_space<vmem>>
      %dma_wait3A_200 = arith.constant 0 : i32
      %dma_wait3A_201 = tpu.memref_slice %arg5[%add3A_103, %dma_wait3A_200] : memref<64x128xi32, #tpu.memory_space<vmem>> -> memref<1x128xi32, #tpu.memory_space<vmem>>
      %dma_wait3A_202 = tpu.memref_squeeze %dma_wait3A_201 : memref<1x128xi32, #tpu.memory_space<vmem>> -> memref<128xi32, #tpu.memory_space<vmem>>
      %dma_wait3A_203 = arith.constant 0 : i32
      %dma_wait3A_204 = arith.constant 0 : i32
      %dma_wait3A_205 = tpu.memref_slice %arg3[%dma_wait3A_203, %dma_wait3A_204] : memref<1916928x32xf32, #tpu.memory_space<hbm>> -> memref<1916928x32xf32, #tpu.memory_space<hbm>>
      tpu.wait_indirect_dma semaphore(%arg9 : memref<!tpu.dma_semaphore, #tpu.memory_space<semaphore_mem>>) src(%dma_wait3A_205 : memref<1916928x32xf32, #tpu.memory_space<hbm>>) dst(%dma_wait3A_199 : memref<128x32xf32, #tpu.memory_space<vmem>>)
      %dma_wait3A_206 = arith.constant 3 : i32
      %dma_wait3A_207 = arith.constant 0 : i32
      %dma_wait3A_208 = arith.constant 0 : i32
      %dma_wait3A_209 = tpu.memref_slice %arg7[%dma_wait3A_206, %dma_wait3A_207, %dma_wait3A_208] : memref<4x128x32xf32, #tpu.memory_space<vmem>> -> memref<1x128x32xf32, #tpu.memory_space<vmem>>
      %dma_wait3A_210 = tpu.memref_squeeze %dma_wait3A_209 : memref<1x128x32xf32, #tpu.memory_space<vmem>> -> memref<128x32xf32, #tpu.memory_space<vmem>>
      %dma_wait3A_211 = arith.constant 0 : i32
      %dma_wait3A_212 = tpu.memref_slice %arg5[%add3A_118, %dma_wait3A_211] : memref<64x128xi32, #tpu.memory_space<vmem>> -> memref<1x128xi32, #tpu.memory_space<vmem>>
      %dma_wait3A_213 = tpu.memref_squeeze %dma_wait3A_212 : memref<1x128xi32, #tpu.memory_space<vmem>> -> memref<128xi32, #tpu.memory_space<vmem>>
      %dma_wait3A_214 = arith.constant 0 : i32
      %dma_wait3A_215 = arith.constant 0 : i32
      %dma_wait3A_216 = tpu.memref_slice %arg3[%dma_wait3A_214, %dma_wait3A_215] : memref<1916928x32xf32, #tpu.memory_space<hbm>> -> memref<1916928x32xf32, #tpu.memory_space<hbm>>
      tpu.wait_indirect_dma semaphore(%arg9 : memref<!tpu.dma_semaphore, #tpu.memory_space<semaphore_mem>>) src(%dma_wait3A_216 : memref<1916928x32xf32, #tpu.memory_space<hbm>>) dst(%dma_wait3A_210 : memref<128x32xf32, #tpu.memory_space<vmem>>)
      "tpu.region"() ({
        %run_scoped3A = tpu.sem_alloc : memref<!tpu.dma_semaphore, #tpu.memory_space<semaphore_mem>>
        %dma_start3A_217 = arith.constant 0 : i32
        %dma_start3A_218 = arith.constant 0 : i32
        %dma_start3A_219 = arith.constant 0 : i32
        %dma_start3A_220 = tpu.memref_slice %arg4[%add3A, %add3A_10, %dma_start3A_217, %dma_start3A_218, %dma_start3A_219] : memref<32x16x4x128x32xf32, #tpu.memory_space<hbm>> -> memref<1x1x4x128x32xf32, #tpu.memory_space<hbm>>
        %dma_start3A_221 = tpu.memref_squeeze %dma_start3A_220 : memref<1x1x4x128x32xf32, #tpu.memory_space<hbm>> -> memref<4x128x32xf32, #tpu.memory_space<hbm>>
        %dma_start3A_222 = arith.constant 0 : i32
        %dma_start3A_223 = arith.constant 0 : i32
        %dma_start3A_224 = arith.constant 0 : i32
        %dma_start3A_225 = tpu.memref_slice %arg4[%add3A, %add3A_10, %dma_start3A_222, %dma_start3A_223, %dma_start3A_224] : memref<32x16x4x128x32xf32, #tpu.memory_space<hbm>> -> memref<1x1x4x128x32xf32, #tpu.memory_space<hbm>>
        %dma_start3A_226 = tpu.memref_squeeze %dma_start3A_225 : memref<1x1x4x128x32xf32, #tpu.memory_space<hbm>> -> memref<4x128x32xf32, #tpu.memory_space<hbm>>
        tpu.enqueue_dma source(%arg7 : memref<4x128x32xf32, #tpu.memory_space<vmem>>) target(%dma_start3A_226 : memref<4x128x32xf32, #tpu.memory_space<hbm>>) target_semaphore(%run_scoped3A : memref<!tpu.dma_semaphore, #tpu.memory_space<semaphore_mem>>)
        %dma_wait3A_227 = arith.constant 0 : i32
        %dma_wait3A_228 = arith.constant 0 : i32
        %dma_wait3A_229 = arith.constant 0 : i32
        %dma_wait3A_230 = tpu.memref_slice %arg4[%add3A, %add3A_10, %dma_wait3A_227, %dma_wait3A_228, %dma_wait3A_229] : memref<32x16x4x128x32xf32, #tpu.memory_space<hbm>> -> memref<1x1x4x128x32xf32, #tpu.memory_space<hbm>>
        %dma_wait3A_231 = tpu.memref_squeeze %dma_wait3A_230 : memref<1x1x4x128x32xf32, #tpu.memory_space<hbm>> -> memref<4x128x32xf32, #tpu.memory_space<hbm>>
        %dma_wait3A_232 = arith.constant 0 : i32
        %dma_wait3A_233 = arith.constant 0 : i32
        %dma_wait3A_234 = arith.constant 0 : i32
        %dma_wait3A_235 = tpu.memref_slice %arg4[%add3A, %add3A_10, %dma_wait3A_232, %dma_wait3A_233, %dma_wait3A_234] : memref<32x16x4x128x32xf32, #tpu.memory_space<hbm>> -> memref<1x1x4x128x32xf32, #tpu.memory_space<hbm>>
        %dma_wait3A_236 = tpu.memref_squeeze %dma_wait3A_235 : memref<1x1x4x128x32xf32, #tpu.memory_space<hbm>> -> memref<4x128x32xf32, #tpu.memory_space<hbm>>
        tpu.wait_dma2 semaphore(%run_scoped3A : memref<!tpu.dma_semaphore, #tpu.memory_space<semaphore_mem>>) src(%arg7 : memref<4x128x32xf32, #tpu.memory_space<vmem>>) dst(%dma_wait3A_236 : memref<4x128x32xf32, #tpu.memory_space<hbm>>)
        tpu.yield
      }) : () -> ()
    }
    %scan3A_5 = arith.constant 8 : i32
    return
  }
}

#map = affine_map<(d0, d1) -> (0, 0, 0)>
#map1 = affine_map<(d0, d1) -> (0, 0)>
#map2 = affine_map<(d0, d1) -> (0, 0, 0, 0, 0)>
module attributes {stable_mosaic.version = 14 : i64} {
  func.func @k(%arg0: i32, %arg1: i32, %arg2: memref<32x40x128xi32, #tpu.memory_space<hbm>>, %arg3: memref<1198080x32xf32, #tpu.memory_space<hbm>>, %arg4: memref<32x10x4x128x32xf32, #tpu.memory_space<hbm>>, %arg5: memref<40x128xi32, #tpu.memory_space<vmem>>, %arg6: memref<4x128x32xf32, #tpu.memory_space<vmem>>, %arg7: memref<4x128x32xf32, #tpu.memory_space<vmem>>, %arg8: memref<!tpu.dma_semaphore, #tpu.memory_space<semaphore_mem>>, %arg9: memref<!tpu.dma_semaphore, #tpu.memory_space<semaphore_mem>>) attributes {dimension_semantics = [#tpu.dimension_semantics<core_parallel>, #tpu.dimension_semantics<subcore_parallel>], iteration_bounds = array<i64: 2, 16>, scalar_prefetch = 0 : i64, scratch_operands = 5 : i64, tpu.core_type = #tpu.core_type<sc_vector_subcore>, window_params = [{transform_indices = #map}, {transform_indices = #map1}, {transform_indices = #map2}]} {
    %mul3A = arith.constant 2 : i32
    %mul3A_0 = arith.muli %arg1, %mul3A : i32
    %add3A = arith.addi %mul3A_0, %arg0 : i32
    "tpu.region"() ({
      %run_scoped3A = tpu.sem_alloc : memref<!tpu.dma_semaphore, #tpu.memory_space<semaphore_mem>>
      %dma_start3A = arith.constant 0 : i32
      %dma_start3A_6 = arith.constant 0 : i32
      %dma_start3A_7 = tpu.memref_slice %arg2[%add3A, %dma_start3A, %dma_start3A_6] : memref<32x40x128xi32, #tpu.memory_space<hbm>> -> memref<1x40x128xi32, #tpu.memory_space<hbm>>
      %dma_start3A_8 = tpu.memref_squeeze %dma_start3A_7 : memref<1x40x128xi32, #tpu.memory_space<hbm>> -> memref<40x128xi32, #tpu.memory_space<hbm>>
      %dma_start3A_9 = arith.constant 0 : i32
      %dma_start3A_10 = arith.constant 0 : i32
      %dma_start3A_11 = tpu.memref_slice %arg2[%add3A, %dma_start3A_9, %dma_start3A_10] : memref<32x40x128xi32, #tpu.memory_space<hbm>> -> memref<1x40x128xi32, #tpu.memory_space<hbm>>
      %dma_start3A_12 = tpu.memref_squeeze %dma_start3A_11 : memref<1x40x128xi32, #tpu.memory_space<hbm>> -> memref<40x128xi32, #tpu.memory_space<hbm>>
      tpu.enqueue_dma source(%dma_start3A_12 : memref<40x128xi32, #tpu.memory_space<hbm>>) target(%arg5 : memref<40x128xi32, #tpu.memory_space<vmem>>) target_semaphore(%run_scoped3A : memref<!tpu.dma_semaphore, #tpu.memory_space<semaphore_mem>>)
      %dma_wait3A = arith.constant 0 : i32
      %dma_wait3A_13 = arith.constant 0 : i32
      %dma_wait3A_14 = tpu.memref_slice %arg2[%add3A, %dma_wait3A, %dma_wait3A_13] : memref<32x40x128xi32, #tpu.memory_space<hbm>> -> memref<1x40x128xi32, #tpu.memory_space<hbm>>
      %dma_wait3A_15 = tpu.memref_squeeze %dma_wait3A_14 : memref<1x40x128xi32, #tpu.memory_space<hbm>> -> memref<40x128xi32, #tpu.memory_space<hbm>>
      %dma_wait3A_16 = arith.constant 0 : i32
      %dma_wait3A_17 = arith.constant 0 : i32
      %dma_wait3A_18 = tpu.memref_slice %arg2[%add3A, %dma_wait3A_16, %dma_wait3A_17] : memref<32x40x128xi32, #tpu.memory_space<hbm>> -> memref<1x40x128xi32, #tpu.memory_space<hbm>>
      %dma_wait3A_19 = tpu.memref_squeeze %dma_wait3A_18 : memref<1x40x128xi32, #tpu.memory_space<hbm>> -> memref<40x128xi32, #tpu.memory_space<hbm>>
      tpu.wait_dma2 semaphore(%run_scoped3A : memref<!tpu.dma_semaphore, #tpu.memory_space<semaphore_mem>>) src(%dma_wait3A_19 : memref<40x128xi32, #tpu.memory_space<hbm>>) dst(%arg5 : memref<40x128xi32, #tpu.memory_space<vmem>>)
      tpu.yield
    }) : () -> ()
    %scan3A = arith.constant 0 : i32
    %scan3A_1 = arith.constant 0 : i32
    %scan3A_2 = arith.constant 5 : i32
    %scan3A_3 = arith.addi %scan3A_1, %scan3A_2 : i32
    %scan3A_4 = arith.constant 1 : i32
    scf.for %scan3A_6 = %scan3A_1 to %scan3A_3 step %scan3A_4  : i32 {
      %mul3A_7 = arith.constant 2 : i32
      %mul3A_8 = arith.muli %scan3A_6, %mul3A_7 : i32
      %add3A_9 = arith.constant 1 : i32
      %add3A_10 = arith.addi %mul3A_8, %add3A_9 : i32
      %mul3A_11 = arith.constant 4 : i32
      %mul3A_12 = arith.muli %mul3A_8, %mul3A_11 : i32
      %add3A_13 = arith.constant 0 : i32
      %add3A_14 = arith.addi %mul3A_12, %add3A_13 : i32
      %dma_start3A = arith.constant 0 : i32
      %dma_start3A_15 = arith.constant 0 : i32
      %dma_start3A_16 = arith.constant 0 : i32
      %dma_start3A_17 = tpu.memref_slice %arg6[%dma_start3A, %dma_start3A_15, %dma_start3A_16] : memref<4x128x32xf32, #tpu.memory_space<vmem>> -> memref<1x128x32xf32, #tpu.memory_space<vmem>>
      %dma_start3A_18 = tpu.memref_squeeze %dma_start3A_17 : memref<1x128x32xf32, #tpu.memory_space<vmem>> -> memref<128x32xf32, #tpu.memory_space<vmem>>
      %dma_start3A_19 = arith.constant 0 : i32
      %dma_start3A_20 = tpu.memref_slice %arg5[%add3A_14, %dma_start3A_19] : memref<40x128xi32, #tpu.memory_space<vmem>> -> memref<1x128xi32, #tpu.memory_space<vmem>>
      %dma_start3A_21 = tpu.memref_squeeze %dma_start3A_20 : memref<1x128xi32, #tpu.memory_space<vmem>> -> memref<128xi32, #tpu.memory_space<vmem>>
      %dma_start3A_22 = arith.constant 0 : i32
      %dma_start3A_23 = arith.constant 0 : i32
      %dma_start3A_24 = tpu.memref_slice %arg3[%dma_start3A_22, %dma_start3A_23] : memref<1198080x32xf32, #tpu.memory_space<hbm>> -> memref<1198080x32xf32, #tpu.memory_space<hbm>>
      tpu.enqueue_indirect_dma source(%dma_start3A_24 : memref<1198080x32xf32, #tpu.memory_space<hbm>>) target(%dma_start3A_18 : memref<128x32xf32, #tpu.memory_space<vmem>>) offsets(%dma_start3A_21 : memref<128xi32, #tpu.memory_space<vmem>>) semaphore(%arg8 : memref<!tpu.dma_semaphore, #tpu.memory_space<semaphore_mem>>)
      %mul3A_25 = arith.constant 4 : i32
      %mul3A_26 = arith.muli %mul3A_8, %mul3A_25 : i32
      %add3A_27 = arith.constant 1 : i32
      %add3A_28 = arith.addi %mul3A_26, %add3A_27 : i32
      %dma_start3A_29 = arith.constant 1 : i32
      %dma_start3A_30 = arith.constant 0 : i32
      %dma_start3A_31 = arith.constant 0 : i32
      %dma_start3A_32 = tpu.memref_slice %arg6[%dma_start3A_29, %dma_start3A_30, %dma_start3A_31] : memref<4x128x32xf32, #tpu.memory_space<vmem>> -> memref<1x128x32xf32, #tpu.memory_space<vmem>>
      %dma_start3A_33 = tpu.memref_squeeze %dma_start3A_32 : memref<1x128x32xf32, #tpu.memory_space<vmem>> -> memref<128x32xf32, #tpu.memory_space<vmem>>
      %dma_start3A_34 = arith.constant 0 : i32
      %dma_start3A_35 = tpu.memref_slice %arg5[%add3A_28, %dma_start3A_34] : memref<40x128xi32, #tpu.memory_space<vmem>> -> memref<1x128xi32, #tpu.memory_space<vmem>>
      %dma_start3A_36 = tpu.memref_squeeze %dma_start3A_35 : memref<1x128xi32, #tpu.memory_space<vmem>> -> memref<128xi32, #tpu.memory_space<vmem>>
      %dma_start3A_37 = arith.constant 0 : i32
      %dma_start3A_38 = arith.constant 0 : i32
      %dma_start3A_39 = tpu.memref_slice %arg3[%dma_start3A_37, %dma_start3A_38] : memref<1198080x32xf32, #tpu.memory_space<hbm>> -> memref<1198080x32xf32, #tpu.memory_space<hbm>>
      tpu.enqueue_indirect_dma source(%dma_start3A_39 : memref<1198080x32xf32, #tpu.memory_space<hbm>>) target(%dma_start3A_33 : memref<128x32xf32, #tpu.memory_space<vmem>>) offsets(%dma_start3A_36 : memref<128xi32, #tpu.memory_space<vmem>>) semaphore(%arg8 : memref<!tpu.dma_semaphore, #tpu.memory_space<semaphore_mem>>)
      %mul3A_40 = arith.constant 4 : i32
      %mul3A_41 = arith.muli %mul3A_8, %mul3A_40 : i32
      %add3A_42 = arith.constant 2 : i32
      %add3A_43 = arith.addi %mul3A_41, %add3A_42 : i32
      %dma_start3A_44 = arith.constant 2 : i32
      %dma_start3A_45 = arith.constant 0 : i32
      %dma_start3A_46 = arith.constant 0 : i32
      %dma_start3A_47 = tpu.memref_slice %arg6[%dma_start3A_44, %dma_start3A_45, %dma_start3A_46] : memref<4x128x32xf32, #tpu.memory_space<vmem>> -> memref<1x128x32xf32, #tpu.memory_space<vmem>>
      %dma_start3A_48 = tpu.memref_squeeze %dma_start3A_47 : memref<1x128x32xf32, #tpu.memory_space<vmem>> -> memref<128x32xf32, #tpu.memory_space<vmem>>
      %dma_start3A_49 = arith.constant 0 : i32
      %dma_start3A_50 = tpu.memref_slice %arg5[%add3A_43, %dma_start3A_49] : memref<40x128xi32, #tpu.memory_space<vmem>> -> memref<1x128xi32, #tpu.memory_space<vmem>>
      %dma_start3A_51 = tpu.memref_squeeze %dma_start3A_50 : memref<1x128xi32, #tpu.memory_space<vmem>> -> memref<128xi32, #tpu.memory_space<vmem>>
      %dma_start3A_52 = arith.constant 0 : i32
      %dma_start3A_53 = arith.constant 0 : i32
      %dma_start3A_54 = tpu.memref_slice %arg3[%dma_start3A_52, %dma_start3A_53] : memref<1198080x32xf32, #tpu.memory_space<hbm>> -> memref<1198080x32xf32, #tpu.memory_space<hbm>>
      tpu.enqueue_indirect_dma source(%dma_start3A_54 : memref<1198080x32xf32, #tpu.memory_space<hbm>>) target(%dma_start3A_48 : memref<128x32xf32, #tpu.memory_space<vmem>>) offsets(%dma_start3A_51 : memref<128xi32, #tpu.memory_space<vmem>>) semaphore(%arg8 : memref<!tpu.dma_semaphore, #tpu.memory_space<semaphore_mem>>)
      %mul3A_55 = arith.constant 4 : i32
      %mul3A_56 = arith.muli %mul3A_8, %mul3A_55 : i32
      %add3A_57 = arith.constant 3 : i32
      %add3A_58 = arith.addi %mul3A_56, %add3A_57 : i32
      %dma_start3A_59 = arith.constant 3 : i32
      %dma_start3A_60 = arith.constant 0 : i32
      %dma_start3A_61 = arith.constant 0 : i32
      %dma_start3A_62 = tpu.memref_slice %arg6[%dma_start3A_59, %dma_start3A_60, %dma_start3A_61] : memref<4x128x32xf32, #tpu.memory_space<vmem>> -> memref<1x128x32xf32, #tpu.memory_space<vmem>>
      %dma_start3A_63 = tpu.memref_squeeze %dma_start3A_62 : memref<1x128x32xf32, #tpu.memory_space<vmem>> -> memref<128x32xf32, #tpu.memory_space<vmem>>
      %dma_start3A_64 = arith.constant 0 : i32
      %dma_start3A_65 = tpu.memref_slice %arg5[%add3A_58, %dma_start3A_64] : memref<40x128xi32, #tpu.memory_space<vmem>> -> memref<1x128xi32, #tpu.memory_space<vmem>>
      %dma_start3A_66 = tpu.memref_squeeze %dma_start3A_65 : memref<1x128xi32, #tpu.memory_space<vmem>> -> memref<128xi32, #tpu.memory_space<vmem>>
      %dma_start3A_67 = arith.constant 0 : i32
      %dma_start3A_68 = arith.constant 0 : i32
      %dma_start3A_69 = tpu.memref_slice %arg3[%dma_start3A_67, %dma_start3A_68] : memref<1198080x32xf32, #tpu.memory_space<hbm>> -> memref<1198080x32xf32, #tpu.memory_space<hbm>>
      tpu.enqueue_indirect_dma source(%dma_start3A_69 : memref<1198080x32xf32, #tpu.memory_space<hbm>>) target(%dma_start3A_63 : memref<128x32xf32, #tpu.memory_space<vmem>>) offsets(%dma_start3A_66 : memref<128xi32, #tpu.memory_space<vmem>>) semaphore(%arg8 : memref<!tpu.dma_semaphore, #tpu.memory_space<semaphore_mem>>)
      %mul3A_70 = arith.constant 4 : i32
      %mul3A_71 = arith.muli %add3A_10, %mul3A_70 : i32
      %add3A_72 = arith.constant 0 : i32
      %add3A_73 = arith.addi %mul3A_71, %add3A_72 : i32
      %dma_start3A_74 = arith.constant 0 : i32
      %dma_start3A_75 = arith.constant 0 : i32
      %dma_start3A_76 = arith.constant 0 : i32
      %dma_start3A_77 = tpu.memref_slice %arg7[%dma_start3A_74, %dma_start3A_75, %dma_start3A_76] : memref<4x128x32xf32, #tpu.memory_space<vmem>> -> memref<1x128x32xf32, #tpu.memory_space<vmem>>
      %dma_start3A_78 = tpu.memref_squeeze %dma_start3A_77 : memref<1x128x32xf32, #tpu.memory_space<vmem>> -> memref<128x32xf32, #tpu.memory_space<vmem>>
      %dma_start3A_79 = arith.constant 0 : i32
      %dma_start3A_80 = tpu.memref_slice %arg5[%add3A_73, %dma_start3A_79] : memref<40x128xi32, #tpu.memory_space<vmem>> -> memref<1x128xi32, #tpu.memory_space<vmem>>
      %dma_start3A_81 = tpu.memref_squeeze %dma_start3A_80 : memref<1x128xi32, #tpu.memory_space<vmem>> -> memref<128xi32, #tpu.memory_space<vmem>>
      %dma_start3A_82 = arith.constant 0 : i32
      %dma_start3A_83 = arith.constant 0 : i32
      %dma_start3A_84 = tpu.memref_slice %arg3[%dma_start3A_82, %dma_start3A_83] : memref<1198080x32xf32, #tpu.memory_space<hbm>> -> memref<1198080x32xf32, #tpu.memory_space<hbm>>
      tpu.enqueue_indirect_dma source(%dma_start3A_84 : memref<1198080x32xf32, #tpu.memory_space<hbm>>) target(%dma_start3A_78 : memref<128x32xf32, #tpu.memory_space<vmem>>) offsets(%dma_start3A_81 : memref<128xi32, #tpu.memory_space<vmem>>) semaphore(%arg9 : memref<!tpu.dma_semaphore, #tpu.memory_space<semaphore_mem>>)
      %mul3A_85 = arith.constant 4 : i32
      %mul3A_86 = arith.muli %add3A_10, %mul3A_85 : i32
      %add3A_87 = arith.constant 1 : i32
      %add3A_88 = arith.addi %mul3A_86, %add3A_87 : i32
      %dma_start3A_89 = arith.constant 1 : i32
      %dma_start3A_90 = arith.constant 0 : i32
      %dma_start3A_91 = arith.constant 0 : i32
      %dma_start3A_92 = tpu.memref_slice %arg7[%dma_start3A_89, %dma_start3A_90, %dma_start3A_91] : memref<4x128x32xf32, #tpu.memory_space<vmem>> -> memref<1x128x32xf32, #tpu.memory_space<vmem>>
      %dma_start3A_93 = tpu.memref_squeeze %dma_start3A_92 : memref<1x128x32xf32, #tpu.memory_space<vmem>> -> memref<128x32xf32, #tpu.memory_space<vmem>>
      %dma_start3A_94 = arith.constant 0 : i32
      %dma_start3A_95 = tpu.memref_slice %arg5[%add3A_88, %dma_start3A_94] : memref<40x128xi32, #tpu.memory_space<vmem>> -> memref<1x128xi32, #tpu.memory_space<vmem>>
      %dma_start3A_96 = tpu.memref_squeeze %dma_start3A_95 : memref<1x128xi32, #tpu.memory_space<vmem>> -> memref<128xi32, #tpu.memory_space<vmem>>
      %dma_start3A_97 = arith.constant 0 : i32
      %dma_start3A_98 = arith.constant 0 : i32
      %dma_start3A_99 = tpu.memref_slice %arg3[%dma_start3A_97, %dma_start3A_98] : memref<1198080x32xf32, #tpu.memory_space<hbm>> -> memref<1198080x32xf32, #tpu.memory_space<hbm>>
      tpu.enqueue_indirect_dma source(%dma_start3A_99 : memref<1198080x32xf32, #tpu.memory_space<hbm>>) target(%dma_start3A_93 : memref<128x32xf32, #tpu.memory_space<vmem>>) offsets(%dma_start3A_96 : memref<128xi32, #tpu.memory_space<vmem>>) semaphore(%arg9 : memref<!tpu.dma_semaphore, #tpu.memory_space<semaphore_mem>>)
      %mul3A_100 = arith.constant 4 : i32
      %mul3A_101 = arith.muli %add3A_10, %mul3A_100 : i32
      %add3A_102 = arith.constant 2 : i32
      %add3A_103 = arith.addi %mul3A_101, %add3A_102 : i32
      %dma_start3A_104 = arith.constant 2 : i32
      %dma_start3A_105 = arith.constant 0 : i32
      %dma_start3A_106 = arith.constant 0 : i32
      %dma_start3A_107 = tpu.memref_slice %arg7[%dma_start3A_104, %dma_start3A_105, %dma_start3A_106] : memref<4x128x32xf32, #tpu.memory_space<vmem>> -> memref<1x128x32xf32, #tpu.memory_space<vmem>>
      %dma_start3A_108 = tpu.memref_squeeze %dma_start3A_107 : memref<1x128x32xf32, #tpu.memory_space<vmem>> -> memref<128x32xf32, #tpu.memory_space<vmem>>
      %dma_start3A_109 = arith.constant 0 : i32
      %dma_start3A_110 = tpu.memref_slice %arg5[%add3A_103, %dma_start3A_109] : memref<40x128xi32, #tpu.memory_space<vmem>> -> memref<1x128xi32, #tpu.memory_space<vmem>>
      %dma_start3A_111 = tpu.memref_squeeze %dma_start3A_110 : memref<1x128xi32, #tpu.memory_space<vmem>> -> memref<128xi32, #tpu.memory_space<vmem>>
      %dma_start3A_112 = arith.constant 0 : i32
      %dma_start3A_113 = arith.constant 0 : i32
      %dma_start3A_114 = tpu.memref_slice %arg3[%dma_start3A_112, %dma_start3A_113] : memref<1198080x32xf32, #tpu.memory_space<hbm>> -> memref<1198080x32xf32, #tpu.memory_space<hbm>>
      tpu.enqueue_indirect_dma source(%dma_start3A_114 : memref<1198080x32xf32, #tpu.memory_space<hbm>>) target(%dma_start3A_108 : memref<128x32xf32, #tpu.memory_space<vmem>>) offsets(%dma_start3A_111 : memref<128xi32, #tpu.memory_space<vmem>>) semaphore(%arg9 : memref<!tpu.dma_semaphore, #tpu.memory_space<semaphore_mem>>)
      %mul3A_115 = arith.constant 4 : i32
      %mul3A_116 = arith.muli %add3A_10, %mul3A_115 : i32
      %add3A_117 = arith.constant 3 : i32
      %add3A_118 = arith.addi %mul3A_116, %add3A_117 : i32
      %dma_start3A_119 = arith.constant 3 : i32
      %dma_start3A_120 = arith.constant 0 : i32
      %dma_start3A_121 = arith.constant 0 : i32
      %dma_start3A_122 = tpu.memref_slice %arg7[%dma_start3A_119, %dma_start3A_120, %dma_start3A_121] : memref<4x128x32xf32, #tpu.memory_space<vmem>> -> memref<1x128x32xf32, #tpu.memory_space<vmem>>
      %dma_start3A_123 = tpu.memref_squeeze %dma_start3A_122 : memref<1x128x32xf32, #tpu.memory_space<vmem>> -> memref<128x32xf32, #tpu.memory_space<vmem>>
      %dma_start3A_124 = arith.constant 0 : i32
      %dma_start3A_125 = tpu.memref_slice %arg5[%add3A_118, %dma_start3A_124] : memref<40x128xi32, #tpu.memory_space<vmem>> -> memref<1x128xi32, #tpu.memory_space<vmem>>
      %dma_start3A_126 = tpu.memref_squeeze %dma_start3A_125 : memref<1x128xi32, #tpu.memory_space<vmem>> -> memref<128xi32, #tpu.memory_space<vmem>>
      %dma_start3A_127 = arith.constant 0 : i32
      %dma_start3A_128 = arith.constant 0 : i32
      %dma_start3A_129 = tpu.memref_slice %arg3[%dma_start3A_127, %dma_start3A_128] : memref<1198080x32xf32, #tpu.memory_space<hbm>> -> memref<1198080x32xf32, #tpu.memory_space<hbm>>
      tpu.enqueue_indirect_dma source(%dma_start3A_129 : memref<1198080x32xf32, #tpu.memory_space<hbm>>) target(%dma_start3A_123 : memref<128x32xf32, #tpu.memory_space<vmem>>) offsets(%dma_start3A_126 : memref<128xi32, #tpu.memory_space<vmem>>) semaphore(%arg9 : memref<!tpu.dma_semaphore, #tpu.memory_space<semaphore_mem>>)
      %dma_wait3A = arith.constant 0 : i32
      %dma_wait3A_130 = arith.constant 0 : i32
      %dma_wait3A_131 = arith.constant 0 : i32
      %dma_wait3A_132 = tpu.memref_slice %arg6[%dma_wait3A, %dma_wait3A_130, %dma_wait3A_131] : memref<4x128x32xf32, #tpu.memory_space<vmem>> -> memref<1x128x32xf32, #tpu.memory_space<vmem>>
      %dma_wait3A_133 = tpu.memref_squeeze %dma_wait3A_132 : memref<1x128x32xf32, #tpu.memory_space<vmem>> -> memref<128x32xf32, #tpu.memory_space<vmem>>
      %dma_wait3A_134 = arith.constant 0 : i32
      %dma_wait3A_135 = tpu.memref_slice %arg5[%add3A_14, %dma_wait3A_134] : memref<40x128xi32, #tpu.memory_space<vmem>> -> memref<1x128xi32, #tpu.memory_space<vmem>>
      %dma_wait3A_136 = tpu.memref_squeeze %dma_wait3A_135 : memref<1x128xi32, #tpu.memory_space<vmem>> -> memref<128xi32, #tpu.memory_space<vmem>>
      %dma_wait3A_137 = arith.constant 0 : i32
      %dma_wait3A_138 = arith.constant 0 : i32
      %dma_wait3A_139 = tpu.memref_slice %arg3[%dma_wait3A_137, %dma_wait3A_138] : memref<1198080x32xf32, #tpu.memory_space<hbm>> -> memref<1198080x32xf32, #tpu.memory_space<hbm>>
      tpu.wait_indirect_dma semaphore(%arg8 : memref<!tpu.dma_semaphore, #tpu.memory_space<semaphore_mem>>) src(%dma_wait3A_139 : memref<1198080x32xf32, #tpu.memory_space<hbm>>) dst(%dma_wait3A_133 : memref<128x32xf32, #tpu.memory_space<vmem>>)
      %dma_wait3A_140 = arith.constant 1 : i32
      %dma_wait3A_141 = arith.constant 0 : i32
      %dma_wait3A_142 = arith.constant 0 : i32
      %dma_wait3A_143 = tpu.memref_slice %arg6[%dma_wait3A_140, %dma_wait3A_141, %dma_wait3A_142] : memref<4x128x32xf32, #tpu.memory_space<vmem>> -> memref<1x128x32xf32, #tpu.memory_space<vmem>>
      %dma_wait3A_144 = tpu.memref_squeeze %dma_wait3A_143 : memref<1x128x32xf32, #tpu.memory_space<vmem>> -> memref<128x32xf32, #tpu.memory_space<vmem>>
      %dma_wait3A_145 = arith.constant 0 : i32
      %dma_wait3A_146 = tpu.memref_slice %arg5[%add3A_28, %dma_wait3A_145] : memref<40x128xi32, #tpu.memory_space<vmem>> -> memref<1x128xi32, #tpu.memory_space<vmem>>
      %dma_wait3A_147 = tpu.memref_squeeze %dma_wait3A_146 : memref<1x128xi32, #tpu.memory_space<vmem>> -> memref<128xi32, #tpu.memory_space<vmem>>
      %dma_wait3A_148 = arith.constant 0 : i32
      %dma_wait3A_149 = arith.constant 0 : i32
      %dma_wait3A_150 = tpu.memref_slice %arg3[%dma_wait3A_148, %dma_wait3A_149] : memref<1198080x32xf32, #tpu.memory_space<hbm>> -> memref<1198080x32xf32, #tpu.memory_space<hbm>>
      tpu.wait_indirect_dma semaphore(%arg8 : memref<!tpu.dma_semaphore, #tpu.memory_space<semaphore_mem>>) src(%dma_wait3A_150 : memref<1198080x32xf32, #tpu.memory_space<hbm>>) dst(%dma_wait3A_144 : memref<128x32xf32, #tpu.memory_space<vmem>>)
      %dma_wait3A_151 = arith.constant 2 : i32
      %dma_wait3A_152 = arith.constant 0 : i32
      %dma_wait3A_153 = arith.constant 0 : i32
      %dma_wait3A_154 = tpu.memref_slice %arg6[%dma_wait3A_151, %dma_wait3A_152, %dma_wait3A_153] : memref<4x128x32xf32, #tpu.memory_space<vmem>> -> memref<1x128x32xf32, #tpu.memory_space<vmem>>
      %dma_wait3A_155 = tpu.memref_squeeze %dma_wait3A_154 : memref<1x128x32xf32, #tpu.memory_space<vmem>> -> memref<128x32xf32, #tpu.memory_space<vmem>>
      %dma_wait3A_156 = arith.constant 0 : i32
      %dma_wait3A_157 = tpu.memref_slice %arg5[%add3A_43, %dma_wait3A_156] : memref<40x128xi32, #tpu.memory_space<vmem>> -> memref<1x128xi32, #tpu.memory_space<vmem>>
      %dma_wait3A_158 = tpu.memref_squeeze %dma_wait3A_157 : memref<1x128xi32, #tpu.memory_space<vmem>> -> memref<128xi32, #tpu.memory_space<vmem>>
      %dma_wait3A_159 = arith.constant 0 : i32
      %dma_wait3A_160 = arith.constant 0 : i32
      %dma_wait3A_161 = tpu.memref_slice %arg3[%dma_wait3A_159, %dma_wait3A_160] : memref<1198080x32xf32, #tpu.memory_space<hbm>> -> memref<1198080x32xf32, #tpu.memory_space<hbm>>
      tpu.wait_indirect_dma semaphore(%arg8 : memref<!tpu.dma_semaphore, #tpu.memory_space<semaphore_mem>>) src(%dma_wait3A_161 : memref<1198080x32xf32, #tpu.memory_space<hbm>>) dst(%dma_wait3A_155 : memref<128x32xf32, #tpu.memory_space<vmem>>)
      %dma_wait3A_162 = arith.constant 3 : i32
      %dma_wait3A_163 = arith.constant 0 : i32
      %dma_wait3A_164 = arith.constant 0 : i32
      %dma_wait3A_165 = tpu.memref_slice %arg6[%dma_wait3A_162, %dma_wait3A_163, %dma_wait3A_164] : memref<4x128x32xf32, #tpu.memory_space<vmem>> -> memref<1x128x32xf32, #tpu.memory_space<vmem>>
      %dma_wait3A_166 = tpu.memref_squeeze %dma_wait3A_165 : memref<1x128x32xf32, #tpu.memory_space<vmem>> -> memref<128x32xf32, #tpu.memory_space<vmem>>
      %dma_wait3A_167 = arith.constant 0 : i32
      %dma_wait3A_168 = tpu.memref_slice %arg5[%add3A_58, %dma_wait3A_167] : memref<40x128xi32, #tpu.memory_space<vmem>> -> memref<1x128xi32, #tpu.memory_space<vmem>>
      %dma_wait3A_169 = tpu.memref_squeeze %dma_wait3A_168 : memref<1x128xi32, #tpu.memory_space<vmem>> -> memref<128xi32, #tpu.memory_space<vmem>>
      %dma_wait3A_170 = arith.constant 0 : i32
      %dma_wait3A_171 = arith.constant 0 : i32
      %dma_wait3A_172 = tpu.memref_slice %arg3[%dma_wait3A_170, %dma_wait3A_171] : memref<1198080x32xf32, #tpu.memory_space<hbm>> -> memref<1198080x32xf32, #tpu.memory_space<hbm>>
      tpu.wait_indirect_dma semaphore(%arg8 : memref<!tpu.dma_semaphore, #tpu.memory_space<semaphore_mem>>) src(%dma_wait3A_172 : memref<1198080x32xf32, #tpu.memory_space<hbm>>) dst(%dma_wait3A_166 : memref<128x32xf32, #tpu.memory_space<vmem>>)
      "tpu.region"() ({
        %run_scoped3A = tpu.sem_alloc : memref<!tpu.dma_semaphore, #tpu.memory_space<semaphore_mem>>
        %dma_start3A_217 = arith.constant 0 : i32
        %dma_start3A_218 = arith.constant 0 : i32
        %dma_start3A_219 = arith.constant 0 : i32
        %dma_start3A_220 = tpu.memref_slice %arg4[%add3A, %mul3A_8, %dma_start3A_217, %dma_start3A_218, %dma_start3A_219] : memref<32x10x4x128x32xf32, #tpu.memory_space<hbm>> -> memref<1x1x4x128x32xf32, #tpu.memory_space<hbm>>
        %dma_start3A_221 = tpu.memref_squeeze %dma_start3A_220 : memref<1x1x4x128x32xf32, #tpu.memory_space<hbm>> -> memref<4x128x32xf32, #tpu.memory_space<hbm>>
        %dma_start3A_222 = arith.constant 0 : i32
        %dma_start3A_223 = arith.constant 0 : i32
        %dma_start3A_224 = arith.constant 0 : i32
        %dma_start3A_225 = tpu.memref_slice %arg4[%add3A, %mul3A_8, %dma_start3A_222, %dma_start3A_223, %dma_start3A_224] : memref<32x10x4x128x32xf32, #tpu.memory_space<hbm>> -> memref<1x1x4x128x32xf32, #tpu.memory_space<hbm>>
        %dma_start3A_226 = tpu.memref_squeeze %dma_start3A_225 : memref<1x1x4x128x32xf32, #tpu.memory_space<hbm>> -> memref<4x128x32xf32, #tpu.memory_space<hbm>>
        tpu.enqueue_dma source(%arg6 : memref<4x128x32xf32, #tpu.memory_space<vmem>>) target(%dma_start3A_226 : memref<4x128x32xf32, #tpu.memory_space<hbm>>) target_semaphore(%run_scoped3A : memref<!tpu.dma_semaphore, #tpu.memory_space<semaphore_mem>>)
        %dma_wait3A_227 = arith.constant 0 : i32
        %dma_wait3A_228 = arith.constant 0 : i32
        %dma_wait3A_229 = arith.constant 0 : i32
        %dma_wait3A_230 = tpu.memref_slice %arg4[%add3A, %mul3A_8, %dma_wait3A_227, %dma_wait3A_228, %dma_wait3A_229] : memref<32x10x4x128x32xf32, #tpu.memory_space<hbm>> -> memref<1x1x4x128x32xf32, #tpu.memory_space<hbm>>
        %dma_wait3A_231 = tpu.memref_squeeze %dma_wait3A_230 : memref<1x1x4x128x32xf32, #tpu.memory_space<hbm>> -> memref<4x128x32xf32, #tpu.memory_space<hbm>>
        %dma_wait3A_232 = arith.constant 0 : i32
        %dma_wait3A_233 = arith.constant 0 : i32
        %dma_wait3A_234 = arith.constant 0 : i32
        %dma_wait3A_235 = tpu.memref_slice %arg4[%add3A, %mul3A_8, %dma_wait3A_232, %dma_wait3A_233, %dma_wait3A_234] : memref<32x10x4x128x32xf32, #tpu.memory_space<hbm>> -> memref<1x1x4x128x32xf32, #tpu.memory_space<hbm>>
        %dma_wait3A_236 = tpu.memref_squeeze %dma_wait3A_235 : memref<1x1x4x128x32xf32, #tpu.memory_space<hbm>> -> memref<4x128x32xf32, #tpu.memory_space<hbm>>
        tpu.wait_dma2 semaphore(%run_scoped3A : memref<!tpu.dma_semaphore, #tpu.memory_space<semaphore_mem>>) src(%arg6 : memref<4x128x32xf32, #tpu.memory_space<vmem>>) dst(%dma_wait3A_236 : memref<4x128x32xf32, #tpu.memory_space<hbm>>)
        tpu.yield
      }) : () -> ()
      %dma_wait3A_173 = arith.constant 0 : i32
      %dma_wait3A_174 = arith.constant 0 : i32
      %dma_wait3A_175 = arith.constant 0 : i32
      %dma_wait3A_176 = tpu.memref_slice %arg7[%dma_wait3A_173, %dma_wait3A_174, %dma_wait3A_175] : memref<4x128x32xf32, #tpu.memory_space<vmem>> -> memref<1x128x32xf32, #tpu.memory_space<vmem>>
      %dma_wait3A_177 = tpu.memref_squeeze %dma_wait3A_176 : memref<1x128x32xf32, #tpu.memory_space<vmem>> -> memref<128x32xf32, #tpu.memory_space<vmem>>
      %dma_wait3A_178 = arith.constant 0 : i32
      %dma_wait3A_179 = tpu.memref_slice %arg5[%add3A_73, %dma_wait3A_178] : memref<40x128xi32, #tpu.memory_space<vmem>> -> memref<1x128xi32, #tpu.memory_space<vmem>>
      %dma_wait3A_180 = tpu.memref_squeeze %dma_wait3A_179 : memref<1x128xi32, #tpu.memory_space<vmem>> -> memref<128xi32, #tpu.memory_space<vmem>>
      %dma_wait3A_181 = arith.constant 0 : i32
      %dma_wait3A_182 = arith.constant 0 : i32
      %dma_wait3A_183 = tpu.memref_slice %arg3[%dma_wait3A_181, %dma_wait3A_182] : memref<1198080x32xf32, #tpu.memory_space<hbm>> -> memref<1198080x32xf32, #tpu.memory_space<hbm>>
      tpu.wait_indirect_dma semaphore(%arg9 : memref<!tpu.dma_semaphore, #tpu.memory_space<semaphore_mem>>) src(%dma_wait3A_183 : memref<1198080x32xf32, #tpu.memory_space<hbm>>) dst(%dma_wait3A_177 : memref<128x32xf32, #tpu.memory_space<vmem>>)
      %dma_wait3A_184 = arith.constant 1 : i32
      %dma_wait3A_185 = arith.constant 0 : i32
      %dma_wait3A_186 = arith.constant 0 : i32
      %dma_wait3A_187 = tpu.memref_slice %arg7[%dma_wait3A_184, %dma_wait3A_185, %dma_wait3A_186] : memref<4x128x32xf32, #tpu.memory_space<vmem>> -> memref<1x128x32xf32, #tpu.memory_space<vmem>>
      %dma_wait3A_188 = tpu.memref_squeeze %dma_wait3A_187 : memref<1x128x32xf32, #tpu.memory_space<vmem>> -> memref<128x32xf32, #tpu.memory_space<vmem>>
      %dma_wait3A_189 = arith.constant 0 : i32
      %dma_wait3A_190 = tpu.memref_slice %arg5[%add3A_88, %dma_wait3A_189] : memref<40x128xi32, #tpu.memory_space<vmem>> -> memref<1x128xi32, #tpu.memory_space<vmem>>
      %dma_wait3A_191 = tpu.memref_squeeze %dma_wait3A_190 : memref<1x128xi32, #tpu.memory_space<vmem>> -> memref<128xi32, #tpu.memory_space<vmem>>
      %dma_wait3A_192 = arith.constant 0 : i32
      %dma_wait3A_193 = arith.constant 0 : i32
      %dma_wait3A_194 = tpu.memref_slice %arg3[%dma_wait3A_192, %dma_wait3A_193] : memref<1198080x32xf32, #tpu.memory_space<hbm>> -> memref<1198080x32xf32, #tpu.memory_space<hbm>>
      tpu.wait_indirect_dma semaphore(%arg9 : memref<!tpu.dma_semaphore, #tpu.memory_space<semaphore_mem>>) src(%dma_wait3A_194 : memref<1198080x32xf32, #tpu.memory_space<hbm>>) dst(%dma_wait3A_188 : memref<128x32xf32, #tpu.memory_space<vmem>>)
      %dma_wait3A_195 = arith.constant 2 : i32
      %dma_wait3A_196 = arith.constant 0 : i32
      %dma_wait3A_197 = arith.constant 0 : i32
      %dma_wait3A_198 = tpu.memref_slice %arg7[%dma_wait3A_195, %dma_wait3A_196, %dma_wait3A_197] : memref<4x128x32xf32, #tpu.memory_space<vmem>> -> memref<1x128x32xf32, #tpu.memory_space<vmem>>
      %dma_wait3A_199 = tpu.memref_squeeze %dma_wait3A_198 : memref<1x128x32xf32, #tpu.memory_space<vmem>> -> memref<128x32xf32, #tpu.memory_space<vmem>>
      %dma_wait3A_200 = arith.constant 0 : i32
      %dma_wait3A_201 = tpu.memref_slice %arg5[%add3A_103, %dma_wait3A_200] : memref<40x128xi32, #tpu.memory_space<vmem>> -> memref<1x128xi32, #tpu.memory_space<vmem>>
      %dma_wait3A_202 = tpu.memref_squeeze %dma_wait3A_201 : memref<1x128xi32, #tpu.memory_space<vmem>> -> memref<128xi32, #tpu.memory_space<vmem>>
      %dma_wait3A_203 = arith.constant 0 : i32
      %dma_wait3A_204 = arith.constant 0 : i32
      %dma_wait3A_205 = tpu.memref_slice %arg3[%dma_wait3A_203, %dma_wait3A_204] : memref<1198080x32xf32, #tpu.memory_space<hbm>> -> memref<1198080x32xf32, #tpu.memory_space<hbm>>
      tpu.wait_indirect_dma semaphore(%arg9 : memref<!tpu.dma_semaphore, #tpu.memory_space<semaphore_mem>>) src(%dma_wait3A_205 : memref<1198080x32xf32, #tpu.memory_space<hbm>>) dst(%dma_wait3A_199 : memref<128x32xf32, #tpu.memory_space<vmem>>)
      %dma_wait3A_206 = arith.constant 3 : i32
      %dma_wait3A_207 = arith.constant 0 : i32
      %dma_wait3A_208 = arith.constant 0 : i32
      %dma_wait3A_209 = tpu.memref_slice %arg7[%dma_wait3A_206, %dma_wait3A_207, %dma_wait3A_208] : memref<4x128x32xf32, #tpu.memory_space<vmem>> -> memref<1x128x32xf32, #tpu.memory_space<vmem>>
      %dma_wait3A_210 = tpu.memref_squeeze %dma_wait3A_209 : memref<1x128x32xf32, #tpu.memory_space<vmem>> -> memref<128x32xf32, #tpu.memory_space<vmem>>
      %dma_wait3A_211 = arith.constant 0 : i32
      %dma_wait3A_212 = tpu.memref_slice %arg5[%add3A_118, %dma_wait3A_211] : memref<40x128xi32, #tpu.memory_space<vmem>> -> memref<1x128xi32, #tpu.memory_space<vmem>>
      %dma_wait3A_213 = tpu.memref_squeeze %dma_wait3A_212 : memref<1x128xi32, #tpu.memory_space<vmem>> -> memref<128xi32, #tpu.memory_space<vmem>>
      %dma_wait3A_214 = arith.constant 0 : i32
      %dma_wait3A_215 = arith.constant 0 : i32
      %dma_wait3A_216 = tpu.memref_slice %arg3[%dma_wait3A_214, %dma_wait3A_215] : memref<1198080x32xf32, #tpu.memory_space<hbm>> -> memref<1198080x32xf32, #tpu.memory_space<hbm>>
      tpu.wait_indirect_dma semaphore(%arg9 : memref<!tpu.dma_semaphore, #tpu.memory_space<semaphore_mem>>) src(%dma_wait3A_216 : memref<1198080x32xf32, #tpu.memory_space<hbm>>) dst(%dma_wait3A_210 : memref<128x32xf32, #tpu.memory_space<vmem>>)
      "tpu.region"() ({
        %run_scoped3A = tpu.sem_alloc : memref<!tpu.dma_semaphore, #tpu.memory_space<semaphore_mem>>
        %dma_start3A_217 = arith.constant 0 : i32
        %dma_start3A_218 = arith.constant 0 : i32
        %dma_start3A_219 = arith.constant 0 : i32
        %dma_start3A_220 = tpu.memref_slice %arg4[%add3A, %add3A_10, %dma_start3A_217, %dma_start3A_218, %dma_start3A_219] : memref<32x10x4x128x32xf32, #tpu.memory_space<hbm>> -> memref<1x1x4x128x32xf32, #tpu.memory_space<hbm>>
        %dma_start3A_221 = tpu.memref_squeeze %dma_start3A_220 : memref<1x1x4x128x32xf32, #tpu.memory_space<hbm>> -> memref<4x128x32xf32, #tpu.memory_space<hbm>>
        %dma_start3A_222 = arith.constant 0 : i32
        %dma_start3A_223 = arith.constant 0 : i32
        %dma_start3A_224 = arith.constant 0 : i32
        %dma_start3A_225 = tpu.memref_slice %arg4[%add3A, %add3A_10, %dma_start3A_222, %dma_start3A_223, %dma_start3A_224] : memref<32x10x4x128x32xf32, #tpu.memory_space<hbm>> -> memref<1x1x4x128x32xf32, #tpu.memory_space<hbm>>
        %dma_start3A_226 = tpu.memref_squeeze %dma_start3A_225 : memref<1x1x4x128x32xf32, #tpu.memory_space<hbm>> -> memref<4x128x32xf32, #tpu.memory_space<hbm>>
        tpu.enqueue_dma source(%arg7 : memref<4x128x32xf32, #tpu.memory_space<vmem>>) target(%dma_start3A_226 : memref<4x128x32xf32, #tpu.memory_space<hbm>>) target_semaphore(%run_scoped3A : memref<!tpu.dma_semaphore, #tpu.memory_space<semaphore_mem>>)
        %dma_wait3A_227 = arith.constant 0 : i32
        %dma_wait3A_228 = arith.constant 0 : i32
        %dma_wait3A_229 = arith.constant 0 : i32
        %dma_wait3A_230 = tpu.memref_slice %arg4[%add3A, %add3A_10, %dma_wait3A_227, %dma_wait3A_228, %dma_wait3A_229] : memref<32x10x4x128x32xf32, #tpu.memory_space<hbm>> -> memref<1x1x4x128x32xf32, #tpu.memory_space<hbm>>
        %dma_wait3A_231 = tpu.memref_squeeze %dma_wait3A_230 : memref<1x1x4x128x32xf32, #tpu.memory_space<hbm>> -> memref<4x128x32xf32, #tpu.memory_space<hbm>>
        %dma_wait3A_232 = arith.constant 0 : i32
        %dma_wait3A_233 = arith.constant 0 : i32
        %dma_wait3A_234 = arith.constant 0 : i32
        %dma_wait3A_235 = tpu.memref_slice %arg4[%add3A, %add3A_10, %dma_wait3A_232, %dma_wait3A_233, %dma_wait3A_234] : memref<32x10x4x128x32xf32, #tpu.memory_space<hbm>> -> memref<1x1x4x128x32xf32, #tpu.memory_space<hbm>>
        %dma_wait3A_236 = tpu.memref_squeeze %dma_wait3A_235 : memref<1x1x4x128x32xf32, #tpu.memory_space<hbm>> -> memref<4x128x32xf32, #tpu.memory_space<hbm>>
        tpu.wait_dma2 semaphore(%run_scoped3A : memref<!tpu.dma_semaphore, #tpu.memory_space<semaphore_mem>>) src(%arg7 : memref<4x128x32xf32, #tpu.memory_space<vmem>>) dst(%dma_wait3A_236 : memref<4x128x32xf32, #tpu.memory_space<hbm>>)
        tpu.yield
      }) : () -> ()
    }
    %scan3A_5 = arith.constant 5 : i32
    return
  }
}

module attributes {stable_mosaic.version = 14 : i64} {
  func.func @body(%arg0: i32, %arg1: i32, %arg2: memref<1x32x100000xf32, #tpu.memory_space<vmem>>, %arg3: memref<128x128xf32, #tpu.memory_space<vmem>>, %arg4: memref<4992x128xf32, #tpu.memory_space<vmem>>) attributes {dimension_semantics = [#tpu.dimension_semantics<arbitrary>, #tpu.dimension_semantics<arbitrary>], iteration_bounds = array<i64: 10, 6>, scalar_prefetch = 0 : i64, scratch_operands = 0 : i64, tpu.core_type = #tpu.core_type<tc>, window_params = [{transform_indices = @transform_0, window_bounds = array<i64: 1, 32, 100000>}, {pipeline_mode = #tpu.pipeline_mode<synchronous>, transform_indices = @transform_1, window_bounds = array<i64: 128, 128>}, {transform_indices = @transform_2, window_bounds = array<i64: 4992, 128>}]} {
    %eq3A = arith.constant 0 : i32
    %eq3A_0 = arith.cmpi eq, %arg1, %eq3A : i32
    %convert_element_type3A = arith.extui %eq3A_0 : i1 to i32
    %cond3A = arith.constant 0 : i32
    %cond3A_1 = arith.cmpi ne, %convert_element_type3A, %cond3A : i32
    scf.if %cond3A_1 {
      %get3A = arith.constant 0 : index
      %get3A_27 = arith.constant 0 : index
      %get3A_28 = arith.constant 0 : index
      %get3A_29 = vector.load %arg2[%get3A, %get3A_27, %get3A_28] : memref<1x32x100000xf32, #tpu.memory_space<vmem>>, vector<1x32x4992xf32>
      %get3A_30 = vector.shape_cast %get3A_29 : vector<1x32x4992xf32> to vector<32x4992xf32>
      %get3A_31 = arith.constant 0 : index
      %get3A_32 = arith.constant 0 : index
      %get3A_33 = arith.constant 24960 : index
      %get3A_34 = vector.load %arg2[%get3A_31, %get3A_32, %get3A_33] : memref<1x32x100000xf32, #tpu.memory_space<vmem>>, vector<1x32x4992xf32>
      %get3A_35 = vector.shape_cast %get3A_34 : vector<1x32x4992xf32> to vector<32x4992xf32>
      %get3A_36 = arith.constant 0 : index
      %get3A_37 = arith.constant 0 : index
      %get3A_38 = arith.constant 49920 : index
      %get3A_39 = vector.load %arg2[%get3A_36, %get3A_37, %get3A_38] : memref<1x32x100000xf32, #tpu.memory_space<vmem>>, vector<1x32x4992xf32>
      %get3A_40 = vector.shape_cast %get3A_39 : vector<1x32x4992xf32> to vector<32x4992xf32>
      %get3A_41 = arith.constant 0 : index
      %get3A_42 = arith.constant 0 : index
      %get3A_43 = arith.constant 74880 : index
      %get3A_44 = vector.load %arg2[%get3A_41, %get3A_42, %get3A_43] : memref<1x32x100000xf32, #tpu.memory_space<vmem>>, vector<1x32x4992xf32>
      %get3A_45 = vector.shape_cast %get3A_44 : vector<1x32x4992xf32> to vector<32x4992xf32>
      %concatenate3A = tpu.concatenate %get3A_30, %get3A_35, %get3A_40, %get3A_45 in 0 : vector<32x4992xf32>, vector<32x4992xf32>, vector<32x4992xf32>, vector<32x4992xf32> -> vector<128x4992xf32>
      %get3A_46 = arith.constant 0 : index
      %get3A_47 = arith.constant 0 : index
      %get3A_48 = vector.load %arg3[%get3A_46, %get3A_47] : memref<128x128xf32, #tpu.memory_space<vmem>>, vector<128x128xf32>
      %dot_general3A = arith.constant dense<0.000000e+00> : vector<4992x128xf32>
      %dot_general3A_49 = tpu.matmul %concatenate3A, %get3A_48, %dot_general3A {dimension_numbers = #tpu.dot_dimension_numbers<[0], [0], [1], [1], [0, 1, 1, 1], [], []>, transpose_lhs_hint = false} : vector<128x4992xf32>, vector<128x128xf32>, vector<4992x128xf32> -> vector<4992x128xf32>
      %swap3A = arith.constant 0 : index
      %swap3A_50 = arith.constant 0 : index
      %swap3A_51 = vector.load %arg4[%swap3A, %swap3A_50] : memref<4992x128xf32, #tpu.memory_space<vmem>>, vector<4992x128xf32>
      tpu.vector_store %arg4[%swap3A, %swap3A_50], %dot_general3A_49 {strides = array<i32>} : memref<4992x128xf32, #tpu.memory_space<vmem>>, vector<4992x128xf32>,
    } else {
    }
    %eq3A_2 = arith.constant 1 : i32
    %eq3A_3 = arith.cmpi eq, %arg1, %eq3A_2 : i32
    %convert_element_type3A_4 = arith.extui %eq3A_3 : i1 to i32
    %cond3A_5 = arith.constant 0 : i32
    %cond3A_6 = arith.cmpi ne, %convert_element_type3A_4, %cond3A_5 : i32
    scf.if %cond3A_6 {
      %get3A = arith.constant 0 : index
      %get3A_27 = arith.constant 0 : index
      %get3A_28 = arith.constant 4992 : index
      %get3A_29 = vector.load %arg2[%get3A, %get3A_27, %get3A_28] : memref<1x32x100000xf32, #tpu.memory_space<vmem>>, vector<1x32x4992xf32>
      %get3A_30 = vector.shape_cast %get3A_29 : vector<1x32x4992xf32> to vector<32x4992xf32>
      %get3A_31 = arith.constant 0 : index
      %get3A_32 = arith.constant 0 : index
      %get3A_33 = arith.constant 29952 : index
      %get3A_34 = vector.load %arg2[%get3A_31, %get3A_32, %get3A_33] : memref<1x32x100000xf32, #tpu.memory_space<vmem>>, vector<1x32x4992xf32>
      %get3A_35 = vector.shape_cast %get3A_34 : vector<1x32x4992xf32> to vector<32x4992xf32>
      %get3A_36 = arith.constant 0 : index
      %get3A_37 = arith.constant 0 : index
      %get3A_38 = arith.constant 54912 : index
      %get3A_39 = vector.load %arg2[%get3A_36, %get3A_37, %get3A_38] : memref<1x32x100000xf32, #tpu.memory_space<vmem>>, vector<1x32x4992xf32>
      %get3A_40 = vector.shape_cast %get3A_39 : vector<1x32x4992xf32> to vector<32x4992xf32>
      %get3A_41 = arith.constant 0 : index
      %get3A_42 = arith.constant 0 : index
      %get3A_43 = arith.constant 79872 : index
      %get3A_44 = vector.load %arg2[%get3A_41, %get3A_42, %get3A_43] : memref<1x32x100000xf32, #tpu.memory_space<vmem>>, vector<1x32x4992xf32>
      %get3A_45 = vector.shape_cast %get3A_44 : vector<1x32x4992xf32> to vector<32x4992xf32>
      %concatenate3A = tpu.concatenate %get3A_30, %get3A_35, %get3A_40, %get3A_45 in 0 : vector<32x4992xf32>, vector<32x4992xf32>, vector<32x4992xf32>, vector<32x4992xf32> -> vector<128x4992xf32>
      %get3A_46 = arith.constant 0 : index
      %get3A_47 = arith.constant 0 : index
      %get3A_48 = vector.load %arg3[%get3A_46, %get3A_47] : memref<128x128xf32, #tpu.memory_space<vmem>>, vector<128x128xf32>
      %dot_general3A = arith.constant dense<0.000000e+00> : vector<4992x128xf32>
      %dot_general3A_49 = tpu.matmul %concatenate3A, %get3A_48, %dot_general3A {dimension_numbers = #tpu.dot_dimension_numbers<[0], [0], [1], [1], [0, 1, 1, 1], [], []>, transpose_lhs_hint = false} : vector<128x4992xf32>, vector<128x128xf32>, vector<4992x128xf32> -> vector<4992x128xf32>
      %swap3A = arith.constant 0 : index
      %swap3A_50 = arith.constant 0 : index
      %swap3A_51 = vector.load %arg4[%swap3A, %swap3A_50] : memref<4992x128xf32, #tpu.memory_space<vmem>>, vector<4992x128xf32>
      tpu.vector_store %arg4[%swap3A, %swap3A_50], %dot_general3A_49 {strides = array<i32>} : memref<4992x128xf32, #tpu.memory_space<vmem>>, vector<4992x128xf32>,
    } else {
    }
    %eq3A_7 = arith.constant 2 : i32
    %eq3A_8 = arith.cmpi eq, %arg1, %eq3A_7 : i32
    %convert_element_type3A_9 = arith.extui %eq3A_8 : i1 to i32
    %cond3A_10 = arith.constant 0 : i32
    %cond3A_11 = arith.cmpi ne, %convert_element_type3A_9, %cond3A_10 : i32
    scf.if %cond3A_11 {
      %get3A = arith.constant 0 : index
      %get3A_27 = arith.constant 0 : index
      %get3A_28 = arith.constant 9984 : index
      %get3A_29 = vector.load %arg2[%get3A, %get3A_27, %get3A_28] : memref<1x32x100000xf32, #tpu.memory_space<vmem>>, vector<1x32x4992xf32>
      %get3A_30 = vector.shape_cast %get3A_29 : vector<1x32x4992xf32> to vector<32x4992xf32>
      %get3A_31 = arith.constant 0 : index
      %get3A_32 = arith.constant 0 : index
      %get3A_33 = arith.constant 34944 : index
      %get3A_34 = vector.load %arg2[%get3A_31, %get3A_32, %get3A_33] : memref<1x32x100000xf32, #tpu.memory_space<vmem>>, vector<1x32x4992xf32>
      %get3A_35 = vector.shape_cast %get3A_34 : vector<1x32x4992xf32> to vector<32x4992xf32>
      %get3A_36 = arith.constant 0 : index
      %get3A_37 = arith.constant 0 : index
      %get3A_38 = arith.constant 59904 : index
      %get3A_39 = vector.load %arg2[%get3A_36, %get3A_37, %get3A_38] : memref<1x32x100000xf32, #tpu.memory_space<vmem>>, vector<1x32x4992xf32>
      %get3A_40 = vector.shape_cast %get3A_39 : vector<1x32x4992xf32> to vector<32x4992xf32>
      %get3A_41 = arith.constant 0 : index
      %get3A_42 = arith.constant 0 : index
      %get3A_43 = arith.constant 84864 : index
      %get3A_44 = vector.load %arg2[%get3A_41, %get3A_42, %get3A_43] : memref<1x32x100000xf32, #tpu.memory_space<vmem>>, vector<1x32x4992xf32>
      %get3A_45 = vector.shape_cast %get3A_44 : vector<1x32x4992xf32> to vector<32x4992xf32>
      %concatenate3A = tpu.concatenate %get3A_30, %get3A_35, %get3A_40, %get3A_45 in 0 : vector<32x4992xf32>, vector<32x4992xf32>, vector<32x4992xf32>, vector<32x4992xf32> -> vector<128x4992xf32>
      %get3A_46 = arith.constant 0 : index
      %get3A_47 = arith.constant 0 : index
      %get3A_48 = vector.load %arg3[%get3A_46, %get3A_47] : memref<128x128xf32, #tpu.memory_space<vmem>>, vector<128x128xf32>
      %dot_general3A = arith.constant dense<0.000000e+00> : vector<4992x128xf32>
      %dot_general3A_49 = tpu.matmul %concatenate3A, %get3A_48, %dot_general3A {dimension_numbers = #tpu.dot_dimension_numbers<[0], [0], [1], [1], [0, 1, 1, 1], [], []>, transpose_lhs_hint = false} : vector<128x4992xf32>, vector<128x128xf32>, vector<4992x128xf32> -> vector<4992x128xf32>
      %swap3A = arith.constant 0 : index
      %swap3A_50 = arith.constant 0 : index
      %swap3A_51 = vector.load %arg4[%swap3A, %swap3A_50] : memref<4992x128xf32, #tpu.memory_space<vmem>>, vector<4992x128xf32>
      tpu.vector_store %arg4[%swap3A, %swap3A_50], %dot_general3A_49 {strides = array<i32>} : memref<4992x128xf32, #tpu.memory_space<vmem>>, vector<4992x128xf32>,
    } else {
    }
    %eq3A_12 = arith.constant 3 : i32
    %eq3A_13 = arith.cmpi eq, %arg1, %eq3A_12 : i32
    %convert_element_type3A_14 = arith.extui %eq3A_13 : i1 to i32
    %cond3A_15 = arith.constant 0 : i32
    %cond3A_16 = arith.cmpi ne, %convert_element_type3A_14, %cond3A_15 : i32
    scf.if %cond3A_16 {
      %get3A = arith.constant 0 : index
      %get3A_27 = arith.constant 0 : index
      %get3A_28 = arith.constant 14976 : index
      %get3A_29 = vector.load %arg2[%get3A, %get3A_27, %get3A_28] : memref<1x32x100000xf32, #tpu.memory_space<vmem>>, vector<1x32x4992xf32>
      %get3A_30 = vector.shape_cast %get3A_29 : vector<1x32x4992xf32> to vector<32x4992xf32>
      %get3A_31 = arith.constant 0 : index
      %get3A_32 = arith.constant 0 : index
      %get3A_33 = arith.constant 39936 : index
      %get3A_34 = vector.load %arg2[%get3A_31, %get3A_32, %get3A_33] : memref<1x32x100000xf32, #tpu.memory_space<vmem>>, vector<1x32x4992xf32>
      %get3A_35 = vector.shape_cast %get3A_34 : vector<1x32x4992xf32> to vector<32x4992xf32>
      %get3A_36 = arith.constant 0 : index
      %get3A_37 = arith.constant 0 : index
      %get3A_38 = arith.constant 64896 : index
      %get3A_39 = vector.load %arg2[%get3A_36, %get3A_37, %get3A_38] : memref<1x32x100000xf32, #tpu.memory_space<vmem>>, vector<1x32x4992xf32>
      %get3A_40 = vector.shape_cast %get3A_39 : vector<1x32x4992xf32> to vector<32x4992xf32>
      %get3A_41 = arith.constant 0 : index
      %get3A_42 = arith.constant 0 : index
      %get3A_43 = arith.constant 89856 : index
      %get3A_44 = vector.load %arg2[%get3A_41, %get3A_42, %get3A_43] : memref<1x32x100000xf32, #tpu.memory_space<vmem>>, vector<1x32x4992xf32>
      %get3A_45 = vector.shape_cast %get3A_44 : vector<1x32x4992xf32> to vector<32x4992xf32>
      %concatenate3A = tpu.concatenate %get3A_30, %get3A_35, %get3A_40, %get3A_45 in 0 : vector<32x4992xf32>, vector<32x4992xf32>, vector<32x4992xf32>, vector<32x4992xf32> -> vector<128x4992xf32>
      %get3A_46 = arith.constant 0 : index
      %get3A_47 = arith.constant 0 : index
      %get3A_48 = vector.load %arg3[%get3A_46, %get3A_47] : memref<128x128xf32, #tpu.memory_space<vmem>>, vector<128x128xf32>
      %dot_general3A = arith.constant dense<0.000000e+00> : vector<4992x128xf32>
      %dot_general3A_49 = tpu.matmul %concatenate3A, %get3A_48, %dot_general3A {dimension_numbers = #tpu.dot_dimension_numbers<[0], [0], [1], [1], [0, 1, 1, 1], [], []>, transpose_lhs_hint = false} : vector<128x4992xf32>, vector<128x128xf32>, vector<4992x128xf32> -> vector<4992x128xf32>
      %swap3A = arith.constant 0 : index
      %swap3A_50 = arith.constant 0 : index
      %swap3A_51 = vector.load %arg4[%swap3A, %swap3A_50] : memref<4992x128xf32, #tpu.memory_space<vmem>>, vector<4992x128xf32>
      tpu.vector_store %arg4[%swap3A, %swap3A_50], %dot_general3A_49 {strides = array<i32>} : memref<4992x128xf32, #tpu.memory_space<vmem>>, vector<4992x128xf32>,
    } else {
    }
    %eq3A_17 = arith.constant 4 : i32
    %eq3A_18 = arith.cmpi eq, %arg1, %eq3A_17 : i32
    %convert_element_type3A_19 = arith.extui %eq3A_18 : i1 to i32
    %cond3A_20 = arith.constant 0 : i32
    %cond3A_21 = arith.cmpi ne, %convert_element_type3A_19, %cond3A_20 : i32
    scf.if %cond3A_21 {
      %get3A = arith.constant 0 : index
      %get3A_27 = arith.constant 0 : index
      %get3A_28 = arith.constant 19968 : index
      %get3A_29 = vector.load %arg2[%get3A, %get3A_27, %get3A_28] : memref<1x32x100000xf32, #tpu.memory_space<vmem>>, vector<1x32x4992xf32>
      %get3A_30 = vector.shape_cast %get3A_29 : vector<1x32x4992xf32> to vector<32x4992xf32>
      %get3A_31 = arith.constant 0 : index
      %get3A_32 = arith.constant 0 : index
      %get3A_33 = arith.constant 44928 : index
      %get3A_34 = vector.load %arg2[%get3A_31, %get3A_32, %get3A_33] : memref<1x32x100000xf32, #tpu.memory_space<vmem>>, vector<1x32x4992xf32>
      %get3A_35 = vector.shape_cast %get3A_34 : vector<1x32x4992xf32> to vector<32x4992xf32>
      %get3A_36 = arith.constant 0 : index
      %get3A_37 = arith.constant 0 : index
      %get3A_38 = arith.constant 69888 : index
      %get3A_39 = vector.load %arg2[%get3A_36, %get3A_37, %get3A_38] : memref<1x32x100000xf32, #tpu.memory_space<vmem>>, vector<1x32x4992xf32>
      %get3A_40 = vector.shape_cast %get3A_39 : vector<1x32x4992xf32> to vector<32x4992xf32>
      %get3A_41 = arith.constant 0 : index
      %get3A_42 = arith.constant 0 : index
      %get3A_43 = arith.constant 94848 : index
      %get3A_44 = vector.load %arg2[%get3A_41, %get3A_42, %get3A_43] : memref<1x32x100000xf32, #tpu.memory_space<vmem>>, vector<1x32x4992xf32>
      %get3A_45 = vector.shape_cast %get3A_44 : vector<1x32x4992xf32> to vector<32x4992xf32>
      %concatenate3A = tpu.concatenate %get3A_30, %get3A_35, %get3A_40, %get3A_45 in 0 : vector<32x4992xf32>, vector<32x4992xf32>, vector<32x4992xf32>, vector<32x4992xf32> -> vector<128x4992xf32>
      %get3A_46 = arith.constant 0 : index
      %get3A_47 = arith.constant 0 : index
      %get3A_48 = vector.load %arg3[%get3A_46, %get3A_47] : memref<128x128xf32, #tpu.memory_space<vmem>>, vector<128x128xf32>
      %dot_general3A = arith.constant dense<0.000000e+00> : vector<4992x128xf32>
      %dot_general3A_49 = tpu.matmul %concatenate3A, %get3A_48, %dot_general3A {dimension_numbers = #tpu.dot_dimension_numbers<[0], [0], [1], [1], [0, 1, 1, 1], [], []>, transpose_lhs_hint = false} : vector<128x4992xf32>, vector<128x128xf32>, vector<4992x128xf32> -> vector<4992x128xf32>
      %swap3A = arith.constant 0 : index
      %swap3A_50 = arith.constant 0 : index
      %swap3A_51 = vector.load %arg4[%swap3A, %swap3A_50] : memref<4992x128xf32, #tpu.memory_space<vmem>>, vector<4992x128xf32>
      tpu.vector_store %arg4[%swap3A, %swap3A_50], %dot_general3A_49 {strides = array<i32>} : memref<4992x128xf32, #tpu.memory_space<vmem>>, vector<4992x128xf32>,
    } else {
    }
    %eq3A_22 = arith.constant 5 : i32
    %eq3A_23 = arith.cmpi eq, %arg1, %eq3A_22 : i32
    %convert_element_type3A_24 = arith.extui %eq3A_23 : i1 to i32
    %cond3A_25 = arith.constant 0 : i32
    %cond3A_26 = arith.cmpi ne, %convert_element_type3A_24, %cond3A_25 : i32
    scf.if %cond3A_26 {
      %get3A = arith.constant 0 : index
      %get3A_27 = arith.constant 0 : index
      %get3A_28 = arith.constant 99840 : index
      %get3A_29 = vector.load %arg2[%get3A, %get3A_27, %get3A_28] : memref<1x32x100000xf32, #tpu.memory_space<vmem>>, vector<1x32x160xf32>
      %get3A_30 = vector.shape_cast %get3A_29 : vector<1x32x160xf32> to vector<32x160xf32>
      %get3A_31 = arith.constant 0 : index
      %get3A_32 = arith.constant 0 : index
      %get3A_33 = vector.load %arg3[%get3A_31, %get3A_32] : memref<128x128xf32, #tpu.memory_space<vmem>>, vector<32x128xf32>
      %dot_general3A = arith.constant dense<0.000000e+00> : vector<160x128xf32>
      %dot_general3A_34 = tpu.matmul %get3A_30, %get3A_33, %dot_general3A {dimension_numbers = #tpu.dot_dimension_numbers<[0], [0], [1], [1], [0, 1, 1, 1], [], []>, transpose_lhs_hint = false} : vector<32x160xf32>, vector<32x128xf32>, vector<160x128xf32> -> vector<160x128xf32>
      %swap3A = arith.constant 0 : index
      %swap3A_35 = arith.constant 0 : index
      %swap3A_36 = vector.load %arg4[%swap3A, %swap3A_35] : memref<4992x128xf32, #tpu.memory_space<vmem>>, vector<160x128xf32>
      tpu.vector_store %arg4[%swap3A, %swap3A_35], %dot_general3A_34 {strides = array<i32>} : memref<4992x128xf32, #tpu.memory_space<vmem>>, vector<160x128xf32>,
    } else {
    }
    return
  }
  func.func @transform_0(%arg0: i32, %arg1: i32) -> (i32, i32, i32) {
    %add3A = arith.constant 16 : i32
    %add3A_0 = arith.addi %arg0, %add3A : i32
    %c0_i32 = arith.constant 0 : i32
    %c0_i32_1 = arith.constant 0 : i32
    %c0_i32_2 = arith.constant 0 : i32
    return %add3A_0, %c0_i32, %c0_i32_1 : i32, i32, i32
  }
  func.func @transform_1(%arg0: i32, %arg1: i32) -> (i32, i32) {
    %c0_i32 = arith.constant 0 : i32
    %c0_i32_0 = arith.constant 0 : i32
    %c0_i32_1 = arith.constant 0 : i32
    return %c0_i32, %c0_i32_0 : i32, i32
  }
  func.func @transform_2(%arg0: i32, %arg1: i32) -> (i32, i32) {
    %mul3A = arith.constant 6 : i32
    %mul3A_0 = arith.muli %arg0, %mul3A : i32
    %add3A = arith.addi %mul3A_0, %arg1 : i32
    %c0_i32 = arith.constant 0 : i32
    %c0_i32_1 = arith.constant 0 : i32
    return %add3A, %c0_i32 : i32, i32
  }
}

module attributes {stable_mosaic.version = 14 : i64} {
  func.func @body(%arg0: i32, %arg1: i32, %arg2: memref<1x32x100000xf32, #tpu.memory_space<vmem>>, %arg3: memref<128x128xf32, #tpu.memory_space<vmem>>, %arg4: memref<4992x128xf32, #tpu.memory_space<vmem>>) attributes {dimension_semantics = [#tpu.dimension_semantics<arbitrary>, #tpu.dimension_semantics<arbitrary>], iteration_bounds = array<i64: 16, 6>, scalar_prefetch = 0 : i64, scratch_operands = 0 : i64, tpu.core_type = #tpu.core_type<tc>, window_params = [{transform_indices = @transform_0, window_bounds = array<i64: 1, 32, 100000>}, {pipeline_mode = #tpu.pipeline_mode<synchronous>, transform_indices = @transform_1, window_bounds = array<i64: 128, 128>}, {transform_indices = @transform_2, window_bounds = array<i64: 4992, 128>}]} {
    %eq3A = arith.constant 0 : i32
    %eq3A_0 = arith.cmpi eq, %arg1, %eq3A : i32
    %convert_element_type3A = arith.extui %eq3A_0 : i1 to i32
    %cond3A = arith.constant 0 : i32
    %cond3A_1 = arith.cmpi ne, %convert_element_type3A, %cond3A : i32
    scf.if %cond3A_1 {
      %get3A = arith.constant 0 : index
      %get3A_27 = arith.constant 0 : index
      %get3A_28 = arith.constant 0 : index
      %get3A_29 = vector.load %arg2[%get3A, %get3A_27, %get3A_28] : memref<1x32x100000xf32, #tpu.memory_space<vmem>>, vector<1x32x4992xf32>
      %get3A_30 = vector.shape_cast %get3A_29 : vector<1x32x4992xf32> to vector<32x4992xf32>
      %get3A_31 = arith.constant 0 : index
      %get3A_32 = arith.constant 0 : index
      %get3A_33 = arith.constant 24960 : index
      %get3A_34 = vector.load %arg2[%get3A_31, %get3A_32, %get3A_33] : memref<1x32x100000xf32, #tpu.memory_space<vmem>>, vector<1x32x4992xf32>
      %get3A_35 = vector.shape_cast %get3A_34 : vector<1x32x4992xf32> to vector<32x4992xf32>
      %get3A_36 = arith.constant 0 : index
      %get3A_37 = arith.constant 0 : index
      %get3A_38 = arith.constant 49920 : index
      %get3A_39 = vector.load %arg2[%get3A_36, %get3A_37, %get3A_38] : memref<1x32x100000xf32, #tpu.memory_space<vmem>>, vector<1x32x4992xf32>
      %get3A_40 = vector.shape_cast %get3A_39 : vector<1x32x4992xf32> to vector<32x4992xf32>
      %get3A_41 = arith.constant 0 : index
      %get3A_42 = arith.constant 0 : index
      %get3A_43 = arith.constant 74880 : index
      %get3A_44 = vector.load %arg2[%get3A_41, %get3A_42, %get3A_43] : memref<1x32x100000xf32, #tpu.memory_space<vmem>>, vector<1x32x4992xf32>
      %get3A_45 = vector.shape_cast %get3A_44 : vector<1x32x4992xf32> to vector<32x4992xf32>
      %concatenate3A = tpu.concatenate %get3A_30, %get3A_35, %get3A_40, %get3A_45 in 0 : vector<32x4992xf32>, vector<32x4992xf32>, vector<32x4992xf32>, vector<32x4992xf32> -> vector<128x4992xf32>
      %get3A_46 = arith.constant 0 : index
      %get3A_47 = arith.constant 0 : index
      %get3A_48 = vector.load %arg3[%get3A_46, %get3A_47] : memref<128x128xf32, #tpu.memory_space<vmem>>, vector<128x128xf32>
      %dot_general3A = arith.constant dense<0.000000e+00> : vector<4992x128xf32>
      %dot_general3A_49 = tpu.matmul %concatenate3A, %get3A_48, %dot_general3A {dimension_numbers = #tpu.dot_dimension_numbers<[0], [0], [1], [1], [0, 1, 1, 1], [], []>, transpose_lhs_hint = false} : vector<128x4992xf32>, vector<128x128xf32>, vector<4992x128xf32> -> vector<4992x128xf32>
      %swap3A = arith.constant 0 : index
      %swap3A_50 = arith.constant 0 : index
      %swap3A_51 = vector.load %arg4[%swap3A, %swap3A_50] : memref<4992x128xf32, #tpu.memory_space<vmem>>, vector<4992x128xf32>
      tpu.vector_store %arg4[%swap3A, %swap3A_50], %dot_general3A_49 {strides = array<i32>} : memref<4992x128xf32, #tpu.memory_space<vmem>>, vector<4992x128xf32>,
    } else {
    }
    %eq3A_2 = arith.constant 1 : i32
    %eq3A_3 = arith.cmpi eq, %arg1, %eq3A_2 : i32
    %convert_element_type3A_4 = arith.extui %eq3A_3 : i1 to i32
    %cond3A_5 = arith.constant 0 : i32
    %cond3A_6 = arith.cmpi ne, %convert_element_type3A_4, %cond3A_5 : i32
    scf.if %cond3A_6 {
      %get3A = arith.constant 0 : index
      %get3A_27 = arith.constant 0 : index
      %get3A_28 = arith.constant 4992 : index
      %get3A_29 = vector.load %arg2[%get3A, %get3A_27, %get3A_28] : memref<1x32x100000xf32, #tpu.memory_space<vmem>>, vector<1x32x4992xf32>
      %get3A_30 = vector.shape_cast %get3A_29 : vector<1x32x4992xf32> to vector<32x4992xf32>
      %get3A_31 = arith.constant 0 : index
      %get3A_32 = arith.constant 0 : index
      %get3A_33 = arith.constant 29952 : index
      %get3A_34 = vector.load %arg2[%get3A_31, %get3A_32, %get3A_33] : memref<1x32x100000xf32, #tpu.memory_space<vmem>>, vector<1x32x4992xf32>
      %get3A_35 = vector.shape_cast %get3A_34 : vector<1x32x4992xf32> to vector<32x4992xf32>
      %get3A_36 = arith.constant 0 : index
      %get3A_37 = arith.constant 0 : index
      %get3A_38 = arith.constant 54912 : index
      %get3A_39 = vector.load %arg2[%get3A_36, %get3A_37, %get3A_38] : memref<1x32x100000xf32, #tpu.memory_space<vmem>>, vector<1x32x4992xf32>
      %get3A_40 = vector.shape_cast %get3A_39 : vector<1x32x4992xf32> to vector<32x4992xf32>
      %get3A_41 = arith.constant 0 : index
      %get3A_42 = arith.constant 0 : index
      %get3A_43 = arith.constant 79872 : index
      %get3A_44 = vector.load %arg2[%get3A_41, %get3A_42, %get3A_43] : memref<1x32x100000xf32, #tpu.memory_space<vmem>>, vector<1x32x4992xf32>
      %get3A_45 = vector.shape_cast %get3A_44 : vector<1x32x4992xf32> to vector<32x4992xf32>
      %concatenate3A = tpu.concatenate %get3A_30, %get3A_35, %get3A_40, %get3A_45 in 0 : vector<32x4992xf32>, vector<32x4992xf32>, vector<32x4992xf32>, vector<32x4992xf32> -> vector<128x4992xf32>
      %get3A_46 = arith.constant 0 : index
      %get3A_47 = arith.constant 0 : index
      %get3A_48 = vector.load %arg3[%get3A_46, %get3A_47] : memref<128x128xf32, #tpu.memory_space<vmem>>, vector<128x128xf32>
      %dot_general3A = arith.constant dense<0.000000e+00> : vector<4992x128xf32>
      %dot_general3A_49 = tpu.matmul %concatenate3A, %get3A_48, %dot_general3A {dimension_numbers = #tpu.dot_dimension_numbers<[0], [0], [1], [1], [0, 1, 1, 1], [], []>, transpose_lhs_hint = false} : vector<128x4992xf32>, vector<128x128xf32>, vector<4992x128xf32> -> vector<4992x128xf32>
      %swap3A = arith.constant 0 : index
      %swap3A_50 = arith.constant 0 : index
      %swap3A_51 = vector.load %arg4[%swap3A, %swap3A_50] : memref<4992x128xf32, #tpu.memory_space<vmem>>, vector<4992x128xf32>
      tpu.vector_store %arg4[%swap3A, %swap3A_50], %dot_general3A_49 {strides = array<i32>} : memref<4992x128xf32, #tpu.memory_space<vmem>>, vector<4992x128xf32>,
    } else {
    }
    %eq3A_7 = arith.constant 2 : i32
    %eq3A_8 = arith.cmpi eq, %arg1, %eq3A_7 : i32
    %convert_element_type3A_9 = arith.extui %eq3A_8 : i1 to i32
    %cond3A_10 = arith.constant 0 : i32
    %cond3A_11 = arith.cmpi ne, %convert_element_type3A_9, %cond3A_10 : i32
    scf.if %cond3A_11 {
      %get3A = arith.constant 0 : index
      %get3A_27 = arith.constant 0 : index
      %get3A_28 = arith.constant 9984 : index
      %get3A_29 = vector.load %arg2[%get3A, %get3A_27, %get3A_28] : memref<1x32x100000xf32, #tpu.memory_space<vmem>>, vector<1x32x4992xf32>
      %get3A_30 = vector.shape_cast %get3A_29 : vector<1x32x4992xf32> to vector<32x4992xf32>
      %get3A_31 = arith.constant 0 : index
      %get3A_32 = arith.constant 0 : index
      %get3A_33 = arith.constant 34944 : index
      %get3A_34 = vector.load %arg2[%get3A_31, %get3A_32, %get3A_33] : memref<1x32x100000xf32, #tpu.memory_space<vmem>>, vector<1x32x4992xf32>
      %get3A_35 = vector.shape_cast %get3A_34 : vector<1x32x4992xf32> to vector<32x4992xf32>
      %get3A_36 = arith.constant 0 : index
      %get3A_37 = arith.constant 0 : index
      %get3A_38 = arith.constant 59904 : index
      %get3A_39 = vector.load %arg2[%get3A_36, %get3A_37, %get3A_38] : memref<1x32x100000xf32, #tpu.memory_space<vmem>>, vector<1x32x4992xf32>
      %get3A_40 = vector.shape_cast %get3A_39 : vector<1x32x4992xf32> to vector<32x4992xf32>
      %get3A_41 = arith.constant 0 : index
      %get3A_42 = arith.constant 0 : index
      %get3A_43 = arith.constant 84864 : index
      %get3A_44 = vector.load %arg2[%get3A_41, %get3A_42, %get3A_43] : memref<1x32x100000xf32, #tpu.memory_space<vmem>>, vector<1x32x4992xf32>
      %get3A_45 = vector.shape_cast %get3A_44 : vector<1x32x4992xf32> to vector<32x4992xf32>
      %concatenate3A = tpu.concatenate %get3A_30, %get3A_35, %get3A_40, %get3A_45 in 0 : vector<32x4992xf32>, vector<32x4992xf32>, vector<32x4992xf32>, vector<32x4992xf32> -> vector<128x4992xf32>
      %get3A_46 = arith.constant 0 : index
      %get3A_47 = arith.constant 0 : index
      %get3A_48 = vector.load %arg3[%get3A_46, %get3A_47] : memref<128x128xf32, #tpu.memory_space<vmem>>, vector<128x128xf32>
      %dot_general3A = arith.constant dense<0.000000e+00> : vector<4992x128xf32>
      %dot_general3A_49 = tpu.matmul %concatenate3A, %get3A_48, %dot_general3A {dimension_numbers = #tpu.dot_dimension_numbers<[0], [0], [1], [1], [0, 1, 1, 1], [], []>, transpose_lhs_hint = false} : vector<128x4992xf32>, vector<128x128xf32>, vector<4992x128xf32> -> vector<4992x128xf32>
      %swap3A = arith.constant 0 : index
      %swap3A_50 = arith.constant 0 : index
      %swap3A_51 = vector.load %arg4[%swap3A, %swap3A_50] : memref<4992x128xf32, #tpu.memory_space<vmem>>, vector<4992x128xf32>
      tpu.vector_store %arg4[%swap3A, %swap3A_50], %dot_general3A_49 {strides = array<i32>} : memref<4992x128xf32, #tpu.memory_space<vmem>>, vector<4992x128xf32>,
    } else {
    }
    %eq3A_12 = arith.constant 3 : i32
    %eq3A_13 = arith.cmpi eq, %arg1, %eq3A_12 : i32
    %convert_element_type3A_14 = arith.extui %eq3A_13 : i1 to i32
    %cond3A_15 = arith.constant 0 : i32
    %cond3A_16 = arith.cmpi ne, %convert_element_type3A_14, %cond3A_15 : i32
    scf.if %cond3A_16 {
      %get3A = arith.constant 0 : index
      %get3A_27 = arith.constant 0 : index
      %get3A_28 = arith.constant 14976 : index
      %get3A_29 = vector.load %arg2[%get3A, %get3A_27, %get3A_28] : memref<1x32x100000xf32, #tpu.memory_space<vmem>>, vector<1x32x4992xf32>
      %get3A_30 = vector.shape_cast %get3A_29 : vector<1x32x4992xf32> to vector<32x4992xf32>
      %get3A_31 = arith.constant 0 : index
      %get3A_32 = arith.constant 0 : index
      %get3A_33 = arith.constant 39936 : index
      %get3A_34 = vector.load %arg2[%get3A_31, %get3A_32, %get3A_33] : memref<1x32x100000xf32, #tpu.memory_space<vmem>>, vector<1x32x4992xf32>
      %get3A_35 = vector.shape_cast %get3A_34 : vector<1x32x4992xf32> to vector<32x4992xf32>
      %get3A_36 = arith.constant 0 : index
      %get3A_37 = arith.constant 0 : index
      %get3A_38 = arith.constant 64896 : index
      %get3A_39 = vector.load %arg2[%get3A_36, %get3A_37, %get3A_38] : memref<1x32x100000xf32, #tpu.memory_space<vmem>>, vector<1x32x4992xf32>
      %get3A_40 = vector.shape_cast %get3A_39 : vector<1x32x4992xf32> to vector<32x4992xf32>
      %get3A_41 = arith.constant 0 : index
      %get3A_42 = arith.constant 0 : index
      %get3A_43 = arith.constant 89856 : index
      %get3A_44 = vector.load %arg2[%get3A_41, %get3A_42, %get3A_43] : memref<1x32x100000xf32, #tpu.memory_space<vmem>>, vector<1x32x4992xf32>
      %get3A_45 = vector.shape_cast %get3A_44 : vector<1x32x4992xf32> to vector<32x4992xf32>
      %concatenate3A = tpu.concatenate %get3A_30, %get3A_35, %get3A_40, %get3A_45 in 0 : vector<32x4992xf32>, vector<32x4992xf32>, vector<32x4992xf32>, vector<32x4992xf32> -> vector<128x4992xf32>
      %get3A_46 = arith.constant 0 : index
      %get3A_47 = arith.constant 0 : index
      %get3A_48 = vector.load %arg3[%get3A_46, %get3A_47] : memref<128x128xf32, #tpu.memory_space<vmem>>, vector<128x128xf32>
      %dot_general3A = arith.constant dense<0.000000e+00> : vector<4992x128xf32>
      %dot_general3A_49 = tpu.matmul %concatenate3A, %get3A_48, %dot_general3A {dimension_numbers = #tpu.dot_dimension_numbers<[0], [0], [1], [1], [0, 1, 1, 1], [], []>, transpose_lhs_hint = false} : vector<128x4992xf32>, vector<128x128xf32>, vector<4992x128xf32> -> vector<4992x128xf32>
      %swap3A = arith.constant 0 : index
      %swap3A_50 = arith.constant 0 : index
      %swap3A_51 = vector.load %arg4[%swap3A, %swap3A_50] : memref<4992x128xf32, #tpu.memory_space<vmem>>, vector<4992x128xf32>
      tpu.vector_store %arg4[%swap3A, %swap3A_50], %dot_general3A_49 {strides = array<i32>} : memref<4992x128xf32, #tpu.memory_space<vmem>>, vector<4992x128xf32>,
    } else {
    }
    %eq3A_17 = arith.constant 4 : i32
    %eq3A_18 = arith.cmpi eq, %arg1, %eq3A_17 : i32
    %convert_element_type3A_19 = arith.extui %eq3A_18 : i1 to i32
    %cond3A_20 = arith.constant 0 : i32
    %cond3A_21 = arith.cmpi ne, %convert_element_type3A_19, %cond3A_20 : i32
    scf.if %cond3A_21 {
      %get3A = arith.constant 0 : index
      %get3A_27 = arith.constant 0 : index
      %get3A_28 = arith.constant 19968 : index
      %get3A_29 = vector.load %arg2[%get3A, %get3A_27, %get3A_28] : memref<1x32x100000xf32, #tpu.memory_space<vmem>>, vector<1x32x4992xf32>
      %get3A_30 = vector.shape_cast %get3A_29 : vector<1x32x4992xf32> to vector<32x4992xf32>
      %get3A_31 = arith.constant 0 : index
      %get3A_32 = arith.constant 0 : index
      %get3A_33 = arith.constant 44928 : index
      %get3A_34 = vector.load %arg2[%get3A_31, %get3A_32, %get3A_33] : memref<1x32x100000xf32, #tpu.memory_space<vmem>>, vector<1x32x4992xf32>
      %get3A_35 = vector.shape_cast %get3A_34 : vector<1x32x4992xf32> to vector<32x4992xf32>
      %get3A_36 = arith.constant 0 : index
      %get3A_37 = arith.constant 0 : index
      %get3A_38 = arith.constant 69888 : index
      %get3A_39 = vector.load %arg2[%get3A_36, %get3A_37, %get3A_38] : memref<1x32x100000xf32, #tpu.memory_space<vmem>>, vector<1x32x4992xf32>
      %get3A_40 = vector.shape_cast %get3A_39 : vector<1x32x4992xf32> to vector<32x4992xf32>
      %get3A_41 = arith.constant 0 : index
      %get3A_42 = arith.constant 0 : index
      %get3A_43 = arith.constant 94848 : index
      %get3A_44 = vector.load %arg2[%get3A_41, %get3A_42, %get3A_43] : memref<1x32x100000xf32, #tpu.memory_space<vmem>>, vector<1x32x4992xf32>
      %get3A_45 = vector.shape_cast %get3A_44 : vector<1x32x4992xf32> to vector<32x4992xf32>
      %concatenate3A = tpu.concatenate %get3A_30, %get3A_35, %get3A_40, %get3A_45 in 0 : vector<32x4992xf32>, vector<32x4992xf32>, vector<32x4992xf32>, vector<32x4992xf32> -> vector<128x4992xf32>
      %get3A_46 = arith.constant 0 : index
      %get3A_47 = arith.constant 0 : index
      %get3A_48 = vector.load %arg3[%get3A_46, %get3A_47] : memref<128x128xf32, #tpu.memory_space<vmem>>, vector<128x128xf32>
      %dot_general3A = arith.constant dense<0.000000e+00> : vector<4992x128xf32>
      %dot_general3A_49 = tpu.matmul %concatenate3A, %get3A_48, %dot_general3A {dimension_numbers = #tpu.dot_dimension_numbers<[0], [0], [1], [1], [0, 1, 1, 1], [], []>, transpose_lhs_hint = false} : vector<128x4992xf32>, vector<128x128xf32>, vector<4992x128xf32> -> vector<4992x128xf32>
      %swap3A = arith.constant 0 : index
      %swap3A_50 = arith.constant 0 : index
      %swap3A_51 = vector.load %arg4[%swap3A, %swap3A_50] : memref<4992x128xf32, #tpu.memory_space<vmem>>, vector<4992x128xf32>
      tpu.vector_store %arg4[%swap3A, %swap3A_50], %dot_general3A_49 {strides = array<i32>} : memref<4992x128xf32, #tpu.memory_space<vmem>>, vector<4992x128xf32>,
    } else {
    }
    %eq3A_22 = arith.constant 5 : i32
    %eq3A_23 = arith.cmpi eq, %arg1, %eq3A_22 : i32
    %convert_element_type3A_24 = arith.extui %eq3A_23 : i1 to i32
    %cond3A_25 = arith.constant 0 : i32
    %cond3A_26 = arith.cmpi ne, %convert_element_type3A_24, %cond3A_25 : i32
    scf.if %cond3A_26 {
      %get3A = arith.constant 0 : index
      %get3A_27 = arith.constant 0 : index
      %get3A_28 = arith.constant 99840 : index
      %get3A_29 = vector.load %arg2[%get3A, %get3A_27, %get3A_28] : memref<1x32x100000xf32, #tpu.memory_space<vmem>>, vector<1x32x160xf32>
      %get3A_30 = vector.shape_cast %get3A_29 : vector<1x32x160xf32> to vector<32x160xf32>
      %get3A_31 = arith.constant 0 : index
      %get3A_32 = arith.constant 0 : index
      %get3A_33 = vector.load %arg3[%get3A_31, %get3A_32] : memref<128x128xf32, #tpu.memory_space<vmem>>, vector<32x128xf32>
      %dot_general3A = arith.constant dense<0.000000e+00> : vector<160x128xf32>
      %dot_general3A_34 = tpu.matmul %get3A_30, %get3A_33, %dot_general3A {dimension_numbers = #tpu.dot_dimension_numbers<[0], [0], [1], [1], [0, 1, 1, 1], [], []>, transpose_lhs_hint = false} : vector<32x160xf32>, vector<32x128xf32>, vector<160x128xf32> -> vector<160x128xf32>
      %swap3A = arith.constant 0 : index
      %swap3A_35 = arith.constant 0 : index
      %swap3A_36 = vector.load %arg4[%swap3A, %swap3A_35] : memref<4992x128xf32, #tpu.memory_space<vmem>>, vector<160x128xf32>
      tpu.vector_store %arg4[%swap3A, %swap3A_35], %dot_general3A_34 {strides = array<i32>} : memref<4992x128xf32, #tpu.memory_space<vmem>>, vector<160x128xf32>,
    } else {
    }
    return
  }
  func.func @transform_0(%arg0: i32, %arg1: i32) -> (i32, i32, i32) {
    %add3A = arith.constant 0 : i32
    %add3A_0 = arith.addi %arg0, %add3A : i32
    %c0_i32 = arith.constant 0 : i32
    %c0_i32_1 = arith.constant 0 : i32
    %c0_i32_2 = arith.constant 0 : i32
    return %add3A_0, %c0_i32, %c0_i32_1 : i32, i32, i32
  }
  func.func @transform_1(%arg0: i32, %arg1: i32) -> (i32, i32) {
    %c0_i32 = arith.constant 0 : i32
    %c0_i32_0 = arith.constant 0 : i32
    %c0_i32_1 = arith.constant 0 : i32
    return %c0_i32, %c0_i32_0 : i32, i32
  }
  func.func @transform_2(%arg0: i32, %arg1: i32) -> (i32, i32) {
    %mul3A = arith.constant 6 : i32
    %mul3A_0 = arith.muli %arg0, %mul3A : i32
    %add3A = arith.addi %mul3A_0, %arg1 : i32
    %c0_i32 = arith.constant 0 : i32
    %c0_i32_1 = arith.constant 0 : i32
    return %add3A, %c0_i32 : i32, i32
  }
}

module attributes {stable_mosaic.version = 14 : i64} {
  func.func @body(%arg0: i32, %arg1: memref<4096x128xf32, #tpu.memory_space<vmem>>, %arg2: memref<1024x320xf32, #tpu.memory_space<vmem>>, %arg3: memref<1024x13xf32, #tpu.memory_space<vmem>>, %arg4: memref<512x128xf32, #tpu.memory_space<vmem>>, %arg5: memref<320x128xf32, #tpu.memory_space<vmem>>, %arg6: memref<13x128xf32, #tpu.memory_space<vmem>>, %arg7: memref<1x128xf32, #tpu.memory_space<vmem>>, %arg8: memref<1x128xf32, #tpu.memory_space<vmem>>, %arg9: memref<1x1xf32, #tpu.memory_space<vmem>>, %arg10: memref<1024x1xf32, #tpu.memory_space<vmem>>) attributes {dimension_semantics = [#tpu.dimension_semantics<arbitrary>], iteration_bounds = array<i64: 16>, scalar_prefetch = 0 : i64, scratch_operands = 0 : i64, tpu.core_type = #tpu.core_type<tc>, window_params = [{transform_indices = @transform_0, window_bounds = array<i64: 4096, 128>}, {transform_indices = @transform_1, window_bounds = array<i64: 1024, 320>}, {transform_indices = @transform_2, window_bounds = array<i64: 1024, 13>}, {pipeline_mode = #tpu.pipeline_mode<synchronous>, transform_indices = @transform_3, window_bounds = array<i64: 512, 128>}, {pipeline_mode = #tpu.pipeline_mode<synchronous>, transform_indices = @transform_4, window_bounds = array<i64: 320, 128>}, {pipeline_mode = #tpu.pipeline_mode<synchronous>, transform_indices = @transform_5, window_bounds = array<i64: 13, 128>}, {pipeline_mode = #tpu.pipeline_mode<synchronous>, transform_indices = @transform_6, window_bounds = array<i64: 1, 128>}, {pipeline_mode = #tpu.pipeline_mode<synchronous>, transform_indices = @transform_7, window_bounds = array<i64: 1, 128>}, {pipeline_mode = #tpu.pipeline_mode<synchronous>, transform_indices = @transform_8, window_bounds = array<i64: 1, 1>}, {transform_indices = @transform_9, window_bounds = array<i64: 1024, 1>}]} {
    %get3A = arith.constant 0 : index
    %get3A_0 = arith.constant 0 : index
    %get3A_1 = vector.load %arg1[%get3A, %get3A_0] : memref<4096x128xf32, #tpu.memory_space<vmem>>, vector<4096x128xf32>
    %reshape3A = vector.shape_cast %get3A_1 : vector<4096x128xf32> to vector<1024x4x128xf32>
    %slice3A = vector.extract_strided_slice %reshape3A {offsets = [0, 0, 0], sizes = [1024, 1, 128], strides = [1, 1, 1]} : vector<1024x4x128xf32> to vector<1024x1x128xf32>
    %squeeze3A = vector.shape_cast %slice3A : vector<1024x1x128xf32> to vector<1024x128xf32>
    %get3A_2 = arith.constant 0 : index
    %get3A_3 = arith.constant 0 : index
    %get3A_4 = vector.load %arg4[%get3A_2, %get3A_3] : memref<512x128xf32, #tpu.memory_space<vmem>>, vector<128x128xf32>
    %dot_general3A = arith.constant dense<0.000000e+00> : vector<1024x128xf32>
    %dot_general3A_5 = tpu.matmul %squeeze3A, %get3A_4, %dot_general3A {dimension_numbers = #tpu.dot_dimension_numbers<[1], [0], [0], [1], [0, 0, 1, 1], [], []>, transpose_lhs_hint = false} : vector<1024x128xf32>, vector<128x128xf32>, vector<1024x128xf32> -> vector<1024x128xf32>
    %slice3A_6 = vector.extract_strided_slice %reshape3A {offsets = [0, 1, 0], sizes = [1024, 1, 128], strides = [1, 1, 1]} : vector<1024x4x128xf32> to vector<1024x1x128xf32>
    %squeeze3A_7 = vector.shape_cast %slice3A_6 : vector<1024x1x128xf32> to vector<1024x128xf32>
    %get3A_8 = arith.constant 128 : index
    %get3A_9 = arith.constant 0 : index
    %get3A_10 = vector.load %arg4[%get3A_8, %get3A_9] : memref<512x128xf32, #tpu.memory_space<vmem>>, vector<128x128xf32>
    %dot_general3A_11 = arith.constant dense<0.000000e+00> : vector<1024x128xf32>
    %dot_general3A_12 = tpu.matmul %squeeze3A_7, %get3A_10, %dot_general3A_11 {dimension_numbers = #tpu.dot_dimension_numbers<[1], [0], [0], [1], [0, 0, 1, 1], [], []>, transpose_lhs_hint = false} : vector<1024x128xf32>, vector<128x128xf32>, vector<1024x128xf32> -> vector<1024x128xf32>
    %add3A = arith.addf %dot_general3A_5, %dot_general3A_12 : vector<1024x128xf32>
    %slice3A_13 = vector.extract_strided_slice %reshape3A {offsets = [0, 2, 0], sizes = [1024, 1, 128], strides = [1, 1, 1]} : vector<1024x4x128xf32> to vector<1024x1x128xf32>
    %squeeze3A_14 = vector.shape_cast %slice3A_13 : vector<1024x1x128xf32> to vector<1024x128xf32>
    %get3A_15 = arith.constant 256 : index
    %get3A_16 = arith.constant 0 : index
    %get3A_17 = vector.load %arg4[%get3A_15, %get3A_16] : memref<512x128xf32, #tpu.memory_space<vmem>>, vector<128x128xf32>
    %dot_general3A_18 = arith.constant dense<0.000000e+00> : vector<1024x128xf32>
    %dot_general3A_19 = tpu.matmul %squeeze3A_14, %get3A_17, %dot_general3A_18 {dimension_numbers = #tpu.dot_dimension_numbers<[1], [0], [0], [1], [0, 0, 1, 1], [], []>, transpose_lhs_hint = false} : vector<1024x128xf32>, vector<128x128xf32>, vector<1024x128xf32> -> vector<1024x128xf32>
    %add3A_20 = arith.addf %add3A, %dot_general3A_19 : vector<1024x128xf32>
    %slice3A_21 = vector.extract_strided_slice %reshape3A {offsets = [0, 3, 0], sizes = [1024, 1, 128], strides = [1, 1, 1]} : vector<1024x4x128xf32> to vector<1024x1x128xf32>
    %squeeze3A_22 = vector.shape_cast %slice3A_21 : vector<1024x1x128xf32> to vector<1024x128xf32>
    %get3A_23 = arith.constant 384 : index
    %get3A_24 = arith.constant 0 : index
    %get3A_25 = vector.load %arg4[%get3A_23, %get3A_24] : memref<512x128xf32, #tpu.memory_space<vmem>>, vector<128x128xf32>
    %dot_general3A_26 = arith.constant dense<0.000000e+00> : vector<1024x128xf32>
    %dot_general3A_27 = tpu.matmul %squeeze3A_22, %get3A_25, %dot_general3A_26 {dimension_numbers = #tpu.dot_dimension_numbers<[1], [0], [0], [1], [0, 0, 1, 1], [], []>, transpose_lhs_hint = false} : vector<1024x128xf32>, vector<128x128xf32>, vector<1024x128xf32> -> vector<1024x128xf32>
    %add3A_28 = arith.addf %add3A_20, %dot_general3A_27 : vector<1024x128xf32>
    %get3A_29 = arith.constant 0 : index
    %get3A_30 = arith.constant 0 : index
    %get3A_31 = vector.load %arg2[%get3A_29, %get3A_30] : memref<1024x320xf32, #tpu.memory_space<vmem>>, vector<1024x320xf32>
    %get3A_32 = arith.constant 0 : index
    %get3A_33 = arith.constant 0 : index
    %get3A_34 = vector.load %arg5[%get3A_32, %get3A_33] : memref<320x128xf32, #tpu.memory_space<vmem>>, vector<320x128xf32>
    %dot_general3A_35 = arith.constant dense<0.000000e+00> : vector<1024x128xf32>
    %dot_general3A_36 = tpu.matmul %get3A_31, %get3A_34, %dot_general3A_35 {dimension_numbers = #tpu.dot_dimension_numbers<[1], [0], [0], [1], [0, 0, 1, 1], [], []>, transpose_lhs_hint = false} : vector<1024x320xf32>, vector<320x128xf32>, vector<1024x128xf32> -> vector<1024x128xf32>
    %add3A_37 = arith.addf %add3A_28, %dot_general3A_36 : vector<1024x128xf32>
    %get3A_38 = arith.constant 0 : index
    %get3A_39 = arith.constant 0 : index
    %get3A_40 = vector.load %arg3[%get3A_38, %get3A_39] : memref<1024x13xf32, #tpu.memory_space<vmem>>, vector<1024x13xf32>
    %get3A_41 = arith.constant 0 : index
    %get3A_42 = arith.constant 0 : index
    %get3A_43 = vector.load %arg6[%get3A_41, %get3A_42] : memref<13x128xf32, #tpu.memory_space<vmem>>, vector<13x128xf32>
    %dot_general3A_44 = arith.constant dense<0.000000e+00> : vector<1024x128xf32>
    %dot_general3A_45 = tpu.matmul %get3A_40, %get3A_43, %dot_general3A_44 {dimension_numbers = #tpu.dot_dimension_numbers<[1], [0], [0], [1], [0, 0, 1, 1], [], []>, transpose_lhs_hint = false} : vector<1024x13xf32>, vector<13x128xf32>, vector<1024x128xf32> -> vector<1024x128xf32>
    %add3A_46 = arith.addf %add3A_37, %dot_general3A_45 : vector<1024x128xf32>
    %get3A_47 = arith.constant 0 : index
    %get3A_48 = arith.constant 0 : index
    %get3A_49 = vector.load %arg7[%get3A_47, %get3A_48] : memref<1x128xf32, #tpu.memory_space<vmem>>, vector<1x128xf32>
    %add3A_50 = vector.broadcast %get3A_49 : vector<1x128xf32> to vector<1024x128xf32>
    %add3A_51 = arith.addf %add3A_46, %add3A_50 : vector<1024x128xf32>
    %max3A = arith.constant 0.000000e+00 : f32
    %max3A_52 = vector.broadcast %max3A : f32 to vector<1024x128xf32>
    %max3A_53 = arith.maximumf %add3A_51, %max3A_52 : vector<1024x128xf32>
    %get3A_54 = arith.constant 0 : index
    %get3A_55 = arith.constant 0 : index
    %get3A_56 = vector.load %arg8[%get3A_54, %get3A_55] : memref<1x128xf32, #tpu.memory_space<vmem>>, vector<1x128xf32>
    %mul3A = vector.broadcast %get3A_56 : vector<1x128xf32> to vector<1024x128xf32>
    %mul3A_57 = arith.mulf %max3A_53, %mul3A : vector<1024x128xf32>
    %reduce_sum3A = arith.constant dense<0.000000e+00> : vector<1024xf32>
    %reduce_sum3A_58 = vector.multi_reduction <add>, %mul3A_57, %reduce_sum3A [1] : vector<1024x128xf32> to vector<1024xf32>
    %broadcast_in_dim3A = vector.shape_cast %reduce_sum3A_58 : vector<1024xf32> to vector<1024x1xf32>
    %get3A_59 = arith.constant 0 : index
    %get3A_60 = arith.constant 0 : index
    %get3A_61 = vector.load %arg9[%get3A_59, %get3A_60] : memref<1x1xf32, #tpu.memory_space<vmem>>, vector<1x1xf32>
    %add3A_62 = vector.broadcast %get3A_61 : vector<1x1xf32> to vector<1024x1xf32>
    %add3A_63 = arith.addf %broadcast_in_dim3A, %add3A_62 : vector<1024x1xf32>
    %logistic3A = arith.negf %add3A_63 : vector<1024x1xf32>
    %logistic3A_64 = math.exp %logistic3A : vector<1024x1xf32>
    %logistic3A_65 = arith.constant 1.000000e+00 : f32
    %logistic3A_66 = vector.broadcast %logistic3A_65 : f32 to vector<1024x1xf32>
    %logistic3A_67 = arith.addf %logistic3A_66, %logistic3A_64 : vector<1024x1xf32>
    %logistic3A_68 = arith.divf %logistic3A_66, %logistic3A_67 : vector<1024x1xf32>
    %swap3A = arith.constant 0 : index
    %swap3A_69 = arith.constant 0 : index
    %swap3A_70 = vector.load %arg10[%swap3A, %swap3A_69] : memref<1024x1xf32, #tpu.memory_space<vmem>>, vector<1024x1xf32>
    tpu.vector_store %arg10[%swap3A, %swap3A_69], %logistic3A_68 {strides = array<i32>} : memref<1024x1xf32, #tpu.memory_space<vmem>>, vector<1024x1xf32>,
    return
  }
  func.func @transform_0(%arg0: i32) -> (i32, i32) {
    %c0_i32 = arith.constant 0 : i32
    %c0_i32_0 = arith.constant 0 : i32
    return %arg0, %c0_i32 : i32, i32
  }
  func.func @transform_1(%arg0: i32) -> (i32, i32) {
    %c0_i32 = arith.constant 0 : i32
    %c0_i32_0 = arith.constant 0 : i32
    return %arg0, %c0_i32 : i32, i32
  }
  func.func @transform_2(%arg0: i32) -> (i32, i32) {
    %c0_i32 = arith.constant 0 : i32
    %c0_i32_0 = arith.constant 0 : i32
    return %arg0, %c0_i32 : i32, i32
  }
  func.func @transform_3(%arg0: i32) -> (i32, i32) {
    %c0_i32 = arith.constant 0 : i32
    %c0_i32_0 = arith.constant 0 : i32
    %c0_i32_1 = arith.constant 0 : i32
    return %c0_i32, %c0_i32_0 : i32, i32
  }
  func.func @transform_4(%arg0: i32) -> (i32, i32) {
    %c0_i32 = arith.constant 0 : i32
    %c0_i32_0 = arith.constant 0 : i32
    %c0_i32_1 = arith.constant 0 : i32
    return %c0_i32, %c0_i32_0 : i32, i32
  }
  func.func @transform_5(%arg0: i32) -> (i32, i32) {
    %c0_i32 = arith.constant 0 : i32
    %c0_i32_0 = arith.constant 0 : i32
    %c0_i32_1 = arith.constant 0 : i32
    return %c0_i32, %c0_i32_0 : i32, i32
  }
  func.func @transform_6(%arg0: i32) -> (i32, i32) {
    %c0_i32 = arith.constant 0 : i32
    %c0_i32_0 = arith.constant 0 : i32
    %c0_i32_1 = arith.constant 0 : i32
    return %c0_i32, %c0_i32_0 : i32, i32
  }
  func.func @transform_7(%arg0: i32) -> (i32, i32) {
    %c0_i32 = arith.constant 0 : i32
    %c0_i32_0 = arith.constant 0 : i32
    %c0_i32_1 = arith.constant 0 : i32
    return %c0_i32, %c0_i32_0 : i32, i32
  }
  func.func @transform_8(%arg0: i32) -> (i32, i32) {
    %c0_i32 = arith.constant 0 : i32
    %c0_i32_0 = arith.constant 0 : i32
    %c0_i32_1 = arith.constant 0 : i32
    return %c0_i32, %c0_i32_0 : i32, i32
  }
  func.func @transform_9(%arg0: i32) -> (i32, i32) {
    %c0_i32 = arith.constant 0 : i32
    %c0_i32_0 = arith.constant 0 : i32
    return %arg0, %c0_i32 : i32, i32
  }
}

</mosaic_0001>

<sc_bundles>
// kernel: kernel.10.cloned.1.call-start
scs
__scs_entry_jumppad:
0x0: {  	(pc) =	sbr.rel $0x88, $3  }
0x1: {  	(tag) =	ssettag $0x0;
	lr =	simm.s32 $0x1  }
0x2: {  	[smem:$0x3F9A] =	sst lr;
	_ =	strace $0xD0000000  }
0x3: {  	_ = 	snop  }
0x4: {  	_ = 	snop  }
0x5: {  	_ = 	snop  }
0x6: {  	_ = 	snop  }
0x7: {  	_ = 	snop  }
__scs_overlays_trampoline_lowered:
0x8: {  	[smem:$0x3FA9] =	sst s0  }
0x9: {  	[smem:$0x3FAA] =	sst s1  }
0xa: {  	[smem:$0x3FAB] =	sst s2  }
0xb: {  	[smem:$0x3FAC] =	sst s3  }
0xc: {  	[smem:$0x3FAD] =	sst s4  }
0xd: {  	[smem:$0x3FAE] =	sst s5  }
0xe: {  	[smem:$0x3FAF] =	sst s6  }
0xf: {  	[smem:$0x3FB0] =	sst s7  }
0x10: {  	[smem:$0x3FB1] =	sst s8  }
0x11: {  	[smem:$0x3FB2] =	sst s9;
	s0 =	simm.s32 @!p0 $0x0  }
0x12: {  	s1 =	sld [smem:$0x3F98];
	s0 =	simm.s32 @p0 $0x1  }
0x13: {  	[smem:$0x3FB3] =	sst s0;
	s0 =	simm.s32 @!p1 $0x0  }
0x14: {  	s2 =	sld [smem:$0x3F97];
	s0 =	simm.s32 @p1 $0x1  }
0x15: {  	[smem:$0x3FB4] =	sst s0;
	s0 =	simm.s32 @!p2 $0x0  }
0x16: {  	s3 =	sld [smem:$0x3FDB];
	s0 =	simm.s32 @p2 $0x1  }
0x17: {  	s4 =	simm.s32 $0x1BF5;
	[smem:$0x3FB6] =	sst s0  }
0x18: {  	s0 =	sld [smem:$0x3F99];
	_ =	swait.ge [sflag:s4], $0x0  }
0x19: {  	s7 =	sld [smem:$0x3F9A]  }
0x1a: {  	s8 =	sadd.s32 $0xFFFFE003, lr  }
0x1b: {  	s9 =	sadd.s32 $0xFFFFFEF7, lr;
	s5 =	simm.s32 $0xFFFFFFFF;
	p2 =	slt.u32 s8, $0xFFFFF086  }
0x1c: {  	p1 =	slt.u32 s9, $0xF7A;
	s5 =	simm.s32 @!p2 $0x0  }
0x1d: {  	s5 =	simm.s32 @p1 $0x1;
	p0 =	seq.s32 s7, s2  }
0x1e: {  	s7 =	smul.u32 @!p0 $0xF7A, s2;
	p2 =	seq.s32 @!p0 s5, $0x0  }
0x1f: {  	s9 =	smul.u32 $0xF7A, s1;
	s8 =	simm.s32 @!p0 $0x1BF5;
	p2 =	por !p2, p0  }
0x20: {  	[sflag:s8] =	ssyncset.s32 @!p0 $0xFFFFF086;
	s6 =	sadd.s32 @!p0 s3, s7;
	s7 =	simm.s32 @!p0 $0x108  }
0x21: {  	s3 =	sadd.s32 s3, s9;
	s6 =	sadd.s32 @!p0 $0x88, s6;
	s7 =	simm.s32 @p2 $0x1082  }
0x22: {  	[simem:s7], [sflag:s8] =	dma.local @!p0 [hbm:s6], $0xF7A  }
0x23: {  	s9 =	sor.u32 $0xD0000000, s2;
	s6 =	simm.s32 $0x108;
	_ =	swait.ge @!p0 [sflag:s8], $0x0  }
0x24: {  	s3 =	sadd.s32 $0x88, s3;
	s6 =	simm.s32 @!p1 $0x1082;
	[sflag:s4] =	ssyncset.s32 $0xFFFFF086  }
0x25: {  	[simem:s6], [sflag:s4] =	dma.local [hbm:s3], $0xF7A  }
0x26: {  	[smem:$0x3F9A] =	sst s1;
	(tag) =	ssettag s2;
	_ =	strace s9  }
0x27: {  	s1 =	sld [smem:$0x3FAA]  }
0x28: {  	s2 =	sld [smem:$0x3FAB]  }
0x29: {  	s4 =	sld [smem:$0x3FAD]  }
0x2a: {  	p0 =	seq.s32 s5, $0x0;
	s5 =	sld [smem:$0x3FAE]  }
0x2b: {  	s6 =	sld [smem:$0x3FAF]  }
0x2c: {  	s7 =	sld [smem:$0x3FB0]  }
0x2d: {  	s3 =	simm.s32 $0x108;
	s8 =	sld [smem:$0x3FB1]  }
0x2e: {  	s3 =	simm.s32 @!p0 $0x1082;
	s9 =	sld [smem:$0x3FB2]  }
0x2f: {  	lr =	sadd.s32 s0, s3;
	s0 =	sld [smem:$0x3FA9]  }
0x30: {  	s3 =	sld [smem:$0x3FAC]  }
0x31: {  	[smem:$0x3FB5] =	sst s10  }
0x32: {  	s10 =	sld [smem:$0x3FB3];
	_ =	sdelay $0x3  }
0x33: {  	p0 =	seq.s32 s10, $0x1;
	s10 =	sld [smem:$0x3FB5];
	_ =	sdelay $0x3  }
0x34: {  	[smem:$0x3FB5] =	sst s10  }
0x35: {  	s10 =	sld [smem:$0x3FB4];
	_ =	sdelay $0x3  }
0x36: {  	p1 =	seq.s32 s10, $0x1;
	s10 =	sld [smem:$0x3FB5];
	_ =	sdelay $0x3  }
0x37: {  	[smem:$0x3FB5] =	sst s10  }
0x38: {  	s10 =	sld [smem:$0x3FB6]  }
0x39: {  	_ = 	snop;
	(pc) =	sbr.ind lr, $3  }
0x3a: {  	_ = 	snop  }
0x3b: {  	_ = 	snop  }
0x3c: {  	p2 =	seq.s32 s10, $0x1;
	s10 =	sld [smem:$0x3FB5]  }
0x3d: {  	_ =	shalt  }
0x3e: {  	_ =	shalt  }
0x3f: {  	_ =	shalt  }
0x40: {  	_ =	shalt  }
0x41: {  	_ =	shalt  }
0x42: {  	_ =	shalt  }
0x43: {  	_ =	shalt  }
0x44: {  	_ =	shalt  }
0x45: {  	_ =	shalt  }
0x46: {  	_ =	shalt  }
0x47: {  	_ =	shalt  }
0x48: {  	_ =	shalt  }
0x49: {  	_ =	shalt  }
0x4a: {  	_ =	shalt  }
0x4b: {  	_ =	shalt  }
0x4c: {  	_ =	shalt  }
0x4d: {  	_ =	shalt  }
0x4e: {  	_ =	shalt  }
0x4f: {  	_ =	shalt  }
0x50: {  	_ =	shalt  }
0x51: {  	_ =	shalt  }
0x52: {  	_ =	shalt  }
0x53: {  	_ =	shalt  }
0x54: {  	_ =	shalt  }
0x55: {  	_ =	shalt  }
0x56: {  	_ =	shalt  }
0x57: {  	_ =	shalt  }
0x58: {  	_ =	shalt  }
0x59: {  	_ =	shalt  }
0x5a: {  	_ =	shalt  }
0x5b: {  	_ =	shalt  }
0x5c: {  	_ =	shalt  }
0x5d: {  	_ =	shalt  }
0x5e: {  	_ =	shalt  }
0x5f: {  	_ =	shalt  }
0x60: {  	_ =	shalt  }
0x61: {  	_ =	shalt  }
0x62: {  	_ =	shalt  }
0x63: {  	_ =	shalt  }
0x64: {  	_ =	shalt  }
0x65: {  	_ =	shalt  }
0x66: {  	_ =	shalt  }
0x67: {  	_ =	shalt  }
0x68: {  	_ =	shalt  }
0x69: {  	_ =	shalt  }
0x6a: {  	_ =	shalt  }
0x6b: {  	_ =	shalt  }
0x6c: {  	_ =	shalt  }
0x6d: {  	_ =	shalt  }
0x6e: {  	_ =	shalt  }
0x6f: {  	_ =	shalt  }
0x70: {  	_ =	shalt  }
0x71: {  	_ =	shalt  }
0x72: {  	_ =	shalt  }
0x73: {  	_ =	shalt  }
0x74: {  	_ =	shalt  }
0x75: {  	_ =	shalt  }
0x76: {  	_ =	shalt  }
0x77: {  	_ =	shalt  }
0x78: {  	_ =	shalt  }
0x79: {  	_ =	shalt  }
0x7a: {  	_ =	shalt  }
0x7b: {  	_ =	shalt  }
0x7c: {  	_ =	shalt  }
0x7d: {  	_ =	shalt  }
0x7e: {  	_ =	shalt  }
0x7f: {  	_ =	shalt  }
0x80: {  	_ =	shalt  }
0x81: {  	_ =	shalt  }
0x82: {  	_ =	shalt  }
0x83: {  	_ =	shalt  }
0x84: {  	_ =	shalt  }
0x85: {  	_ =	shalt  }
0x86: {  	_ =	shalt  }
0x87: {  	_ =	shalt  }
.Lfunc_end0:
.L_simem_size_0:
called_computation.1_lowered:
.L_overlay_start_0:
0x88: {  	s2 =	sld [smem:$0x3FD9]  }
0x89: {  	s3 =	sld [smem:$0x3FFE];
	_ =	sdelay $0x1  }
0x8a: {  	s1 =	srdreg.scid  }
0x8b: {  	s0 =	sand.u32 $0x1, s1  }
0x8c: {  	s16 =	sshll.u32 s0, $0xA;
	s2 =	sadd.s32 s3, s2  }
0x8d: {  	s2 =	sadd.s32 s2, s16  }
0x8e: {  	[smem:$0x3FC1] =	sst s2  }
0x8f: {  	_ = 	snop  }
0x90: {  	(tm) =	ssettm $0x1  }
0x91: {  	s17 =	sld [smem:$0x3FFB];
	_ =	sdelay $0x3  }
0x92: {  	_ =	strace s17  }
0x93: {  	s2 =	sld [smem:$0x3FFC];
	_ =	sdelay $0x3  }
0x94: {  	_ =	strace s2  }
0x95: {  	s2 =	sld [smem:$0x3FFD];
	_ =	sdelay $0x3  }
0x96: {  	_ =	strace s2  }
0x97: {  	_ =	strace $0x8FFFFFFF  }
0x98: {  	s18 =	sld [smem:$0x3FDB];
	_ =	sdelay $0x1  }
0x99: {  	s19 =	simm.s32 $_scs_section_size  }
0x9a: {  	s4 =	simm.s32 $_size__tile_overlayer_lowered;
	s5 =	simm.s32 $_tile_overlayer_lowered  }
0x9b: {  	s22 =	simm.s32 $0x1BFF;
	s21 =	sshll.u32 s5, $0x1;
	s2 =	sadd.s32 s19, s18  }
0x9c: {  	s6 =	simm.s32 $0x0;
	s20 =	sshll.u32 s4, $0x1;
	s4 =	sadd.s32 s21, s2  }
0x9d: {  	[timem:s6], [sflag:s22] =	dma.local [hbm:s4], s20  }
0x9e: {  	_ =	swait.ge [sflag:s22], s20  }
0x9f: {  	s3 =	ssub.s32 $0x0, s20;
	[sflag:s22] =	ssyncset.done $0x0  }
0xa0: {  	[sflag:s22] =	ssyncadd.s32 s3;
	_ =	sdelay $0x1  }
0xa1: {  	s23 =	simm.s32 $0x1B8B  }
0xa2: {  	_ =	swait.ge [sflag:s23], $0x1  }
0xa3: {  	[sflag:s23] =	ssyncset.done $0x0  }
0xa4: {  	s25 =	simm.s32 $0x1B8E;
	s24 =	sld [smem:$0x3FFE];
	[sflag:s23] =	ssyncadd.s32 $0xFFFFFFFF  }
0xa5: {  	s26 =	simm.s32 $execute0_lowered;
	[smem:$0x3FD2] =	sst s25  }
0xa6: {  	s4 =	sshll.u32 s26, $0x1;
	_ =	strace $0x80000046;
	[dreg:$0x1] =	wrdreg $0xFFFFFFFF  }
0xa7: {  	s28 =	simm.s32 $_size_execute0_lowered;
	s2 =	sadd.s32 s2, s4;
	[dreg:$0x0] =	wrdreg $0x0  }
0xa8: {  	s4 =	sshll.u32 s28, $0x1;
	[dreg:$0x2] =	wrdreg s2  }
0xa9: {  	[dreg:$0x3] =	wrdreg s4  }
0xaa: {  	[dreg:$0x4] =	wrdreg $0xC0  }
0xab: {  	_ =	task [dreg:s6], $0x5FFFF  }
0xac: {  	[dreg:$0x1] =	wrdreg $0xFFFFFFFF  }
0xad: {  	[dreg:$0x0] =	wrdreg $0x60  }
0xae: {  	[dreg:$0x2] =	wrdreg s24  }
0xaf: {  	[dreg:$0x3] =	wrdreg $0xA  }
0xb0: {  	_ =	task.clear_ibuf [dreg:s6], $0x4FFFF;
	_ =	strace $0x90000046  }
0xb1: {  	s29 =	simm.s32 $0xA;
	_ =	strace $0x80000048  }
0xb2: {  	_ =	swait.ge [sflag:s29], $0x1  }
0xb3: {  	[sflag:s29] =	ssyncadd.s32 $0xFFFFFFFF  }
0xb4: {  	_ =	strace $0x90000048  }
0xb5: {  	_ =	sfence  }
0xb6: {  	s30 =	sld [smem:$0x0];
	_ =	sdelay $0x2  }
0xb7: {  	s31 =	sshll.u32 s1, $0xD;
	s1 =	sshrl.u32 s1, $0x2  }
0xb8: {  	s3 =	sand.u32 $0x4000, s31;
	s1 =	sadd.s32 s1, s30  }
0xb9: {  	s0 =	sor.u32 s3, s0;
	s1 =	sshll.u32 s1, $0x11  }
0xba: {  	s0 =	sor.u32 s1, s0  }
0xbb: {  	s0 =	sadd.s32 $0x8F2B, s0  }
0xbc: {  	[sflag:s0] =	ssyncadd.remote.s32 $0x1  }
0xbd: {  	_ =	sfence.sel $0xFFFF  }
0xbe: {  	[dreg:$0x0] =	wrdreg $0xFFFFFFFF;
	(pc) =	sbr.abs _section_cstart, $3  }
0xbf: {  	[dreg:$0x1] =	wrdreg $0xFFFFFFFF  }
0xc0: {  	_ =	task.clear_ibuf [dreg:s6], $0x2FFFF;
	_ =	strace $0x9FFFFFFF  }
0xc1: {  	(tm) =	ssettm $0x7FFFFFFF  }
tec
execute0_lowered:
.L_overlay_start_1:
0x0: {  	(tag) =	ssettag $0x1  }
0x1: {  	s1 =	srdreg.scid  }
0x2: {  	s0 =	stileid.u32;
	s5 =	rddreg [dreg:$0x0];
	s2 =	simm.s32 $0x0  }
0x3: {  	s10 =	simm.s32 $0x1400;
	s11 =	simm.s32 $0x2400;
	s12 =	simm.s32 $0x3400  }
0x4: {  	s13 =	simm.s32 $0x4400;
	s14 =	simm.s32 $0x5400;
	s15 =	simm.s32 $0x6400  }
0x5: {  	s16 =	simm.s32 $0x7400;
	s17 =	simm.s32 $0x8400;
	s18 =	simm.s32 $0x1  }
0x6: {  	s19 =	simm.s32 $0x2;
	s20 =	simm.s32 $0x0;
	s4 =	sand.u32 $0x1, s1  }
0x7: {  	s30 =	sshll.u32 s0, $0x1;
	s1 =	rddreg [dreg:$0x1];
	s6 =	smul.u32 $0x50000, s0  }
0x8: {  	[smem:$0x7FF] =	sst s2;
	s3 =	sor.u32 s4, s30;
	s7 =	smul.u32 $0x28000, s4  }
0x9: {  	s9 =	sadd.s32 $0x498600, s5;
	s4 =	ssub.s32 $0x2, s4;
	s3 =	smul.u32 $0x280, s3  }
0xa: {  	_ =	strace $0x80000047;
	s31 =	sshrl.u32 s4, $0x1;
	s6 =	sadd.s32 s7, s6  }
0xb: {  	s8 =	sadd.s32 s3, s5;
	s3 =	sadd.s32 $0x6600, s5;
	s5 =	ssub.s32 s4, s31  }
0xc: {  	s7 =	sor.u32 $0x4000, s6;
	s6 =	sshrl.u32 s6, $0x3;
	s4 =	sadd.s32 $0x1600, s8  }
0xd: {  	s5 =	smax.u32 s5, $0x1;
	s7 =	sshrl.u32 s7, $0x3;
	s6 =	sadd.s32 s6, s9  }
0xe: {  	s8 =	simm.s32 $0x3;
	s7 =	sadd.s32 s7, s9;
	s9 =	simm.s32 $0x80  }
.LBB2_1:
0xf: {  	[tilespmem:s2], [sflag:$0x3] =	stream.linear.gather [hbm4b:s4+s2], $0x1400, $0x38;
	[tilespmem:$0x9400] =	vst v63  }
0x10: {  	_ =	swait.ge [sflag:s8], $0x1400  }
0x11: {  	[sflag:s8] =	ssyncset.done $0x0  }
0x12: {  	s21 =	simm.s32 $0x0;
	[sflag:s8] =	ssyncadd.s32 $0xFFFFEC00  }
0x13: {  	[tilespmem:s10], [sflag:$0x1] =	stream.indirect.gather [hbm4b:s3+s9], $0x20, s21, s9, $0xb8;
	[tilespmem:$0x9400] =	vst v63  }
0x14: {  	s22 =	simm.s32 $0x80  }
0x15: {  	[tilespmem:s11], [sflag:$0x1] =	stream.indirect.gather [hbm4b:s3+s9], $0x20, s22, s9, $0xb8;
	[tilespmem:$0x9400] =	vst v63  }
0x16: {  	s23 =	simm.s32 $0x100  }
0x17: {  	[tilespmem:s12], [sflag:$0x1] =	stream.indirect.gather [hbm4b:s3+s9], $0x20, s23, s9, $0xb8;
	[tilespmem:$0x9400] =	vst v63  }
0x18: {  	s24 =	simm.s32 $0x180  }
0x19: {  	[tilespmem:s13], [sflag:$0x1] =	stream.indirect.gather [hbm4b:s3+s9], $0x20, s24, s9, $0xb8;
	[tilespmem:$0x9400] =	vst v63  }
0x1a: {  	s25 =	simm.s32 $0x200  }
0x1b: {  	[tilespmem:s14], [sflag:$0x2] =	stream.indirect.gather [hbm4b:s3+s9], $0x20, s25, s9, $0xb8;
	[tilespmem:$0x9400] =	vst v63  }
0x1c: {  	s26 =	simm.s32 $0x280  }
0x1d: {  	[tilespmem:s15], [sflag:$0x2] =	stream.indirect.gather [hbm4b:s3+s9], $0x20, s26, s9, $0xb8;
	[tilespmem:$0x9400] =	vst v63  }
0x1e: {  	s28 =	simm.s32 $0x300  }
0x1f: {  	[tilespmem:s16], [sflag:$0x2] =	stream.indirect.gather [hbm4b:s3+s9], $0x20, s28, s9, $0xb8;
	[tilespmem:$0x9400] =	vst v63  }
0x20: {  	s29 =	simm.s32 $0x380  }
0x21: {  	[tilespmem:s17], [sflag:$0x2] =	stream.indirect.gather [hbm4b:s3+s9], $0x20, s29, s9, $0xb8;
	[tilespmem:$0x9400] =	vst v63  }
0x22: {  	_ =	swait.ge [sflag:s18], $0x1000  }
0x23: {  	[sflag:s18] =	ssyncset.done $0x0  }
0x24: {  	[sflag:s18] =	ssyncadd.s32 $0xFFFFF000  }
0x25: {  	_ =	swait.ge [sflag:s18], $0x1000  }
0x26: {  	[sflag:s18] =	ssyncset.done $0x0  }
0x27: {  	[sflag:s18] =	ssyncadd.s32 $0xFFFFF000  }
0x28: {  	_ =	swait.ge [sflag:s18], $0x1000  }
0x29: {  	[sflag:s18] =	ssyncset.done $0x0  }
0x2a: {  	[sflag:s18] =	ssyncadd.s32 $0xFFFFF000  }
0x2b: {  	_ =	swait.ge [sflag:s18], $0x1000  }
0x2c: {  	[sflag:s18] =	ssyncset.done $0x0  }
0x2d: {  	s30 =	sadd.s32 $0x0, s6;
	[sflag:s18] =	ssyncadd.s32 $0xFFFFF000  }
0x2e: {  	[hbm4b:s30+s2] =	stream.linear.scatter [tilespmem:s10], [sflag:$0x3], $0x4000, $0x38;
	[tilespmem:$0x9400] =	vst v63  }
0x2f: {  	_ =	swait.ge [sflag:s8], $0x4000  }
0x30: {  	[sflag:s8] =	ssyncset.done $0x0  }
0x31: {  	[sflag:s8] =	ssyncadd.s32 $0xFFFFC000  }
0x32: {  	_ =	swait.ge [sflag:s19], $0x1000  }
0x33: {  	[sflag:s19] =	ssyncset.done $0x0  }
0x34: {  	[sflag:s19] =	ssyncadd.s32 $0xFFFFF000  }
0x35: {  	_ =	swait.ge [sflag:s19], $0x1000  }
0x36: {  	[sflag:s19] =	ssyncset.done $0x0  }
0x37: {  	[sflag:s19] =	ssyncadd.s32 $0xFFFFF000  }
0x38: {  	_ =	swait.ge [sflag:s19], $0x1000  }
0x39: {  	[sflag:s19] =	ssyncset.done $0x0  }
0x3a: {  	[sflag:s19] =	ssyncadd.s32 $0xFFFFF000  }
0x3b: {  	_ =	swait.ge [sflag:s19], $0x1000  }
0x3c: {  	[sflag:s19] =	ssyncset.done $0x0  }
0x3d: {  	s31 =	sadd.s32 $0x0, s7;
	[sflag:s19] =	ssyncadd.s32 $0xFFFFF000  }
0x3e: {  	[hbm4b:s31+s2] =	stream.linear.scatter [tilespmem:s14], [sflag:$0x3], $0x4000, $0x38;
	[tilespmem:$0x9400] =	vst v63  }
0x3f: {  	_ =	swait.ge [sflag:s8], $0x4000  }
0x40: {  	s21 =	simm.s32 $0x1000;
	s24 =	simm.s32 $0x2000;
	[sflag:s8] =	ssyncset.done $0x0  }
.LBB2_2:
0x41: {  	s25 =	sshra.s32 s21, $0x2  }
0x42: {  	[sflag:s8] =	ssyncadd.s32 $0xFFFFC000;
	s23 =	smov.u32 s24;
	s22 =	sadd.s32 $0x1000, s24  }
0x43: {  	[tilespmem:s10], [sflag:$0x1] =	stream.indirect.gather [hbm4b:s3+s9], $0x20, s25, s9, $0xb8;
	[tilespmem:$0x9400] =	vst v63  }
0x44: {  	p0 =	sne.s32 s24, $0x4000;
	s24 =	sadd.s32 $0x80, s25  }
0x45: {  	[tilespmem:s11], [sflag:$0x1] =	stream.indirect.gather [hbm4b:s3+s9], $0x20, s24, s9, $0xb8;
	[tilespmem:$0x9400] =	vst v63  }
0x46: {  	s24 =	sadd.s32 $0x100, s25  }
0x47: {  	[tilespmem:s12], [sflag:$0x1] =	stream.indirect.gather [hbm4b:s3+s9], $0x20, s24, s9, $0xb8;
	[tilespmem:$0x9400] =	vst v63  }
0x48: {  	s24 =	sadd.s32 $0x180, s25  }
0x49: {  	[tilespmem:s13], [sflag:$0x1] =	stream.indirect.gather [hbm4b:s3+s9], $0x20, s24, s9, $0xb8;
	[tilespmem:$0x9400] =	vst v63  }
0x4a: {  	s24 =	sadd.s32 $0x200, s25  }
0x4b: {  	[tilespmem:s14], [sflag:$0x2] =	stream.indirect.gather [hbm4b:s3+s9], $0x20, s24, s9, $0xb8;
	[tilespmem:$0x9400] =	vst v63  }
0x4c: {  	s24 =	sadd.s32 $0x280, s25  }
0x4d: {  	[tilespmem:s15], [sflag:$0x2] =	stream.indirect.gather [hbm4b:s3+s9], $0x20, s24, s9, $0xb8;
	[tilespmem:$0x9400] =	vst v63  }
0x4e: {  	s24 =	sadd.s32 $0x300, s25  }
0x4f: {  	[tilespmem:s16], [sflag:$0x2] =	stream.indirect.gather [hbm4b:s3+s9], $0x20, s24, s9, $0xb8;
	[tilespmem:$0x9400] =	vst v63  }
0x50: {  	s24 =	sadd.s32 $0x380, s25  }
0x51: {  	[tilespmem:s17], [sflag:$0x2] =	stream.indirect.gather [hbm4b:s3+s9], $0x20, s24, s9, $0xb8;
	[tilespmem:$0x9400] =	vst v63  }
0x52: {  	_ =	swait.ge [sflag:s18], $0x1000  }
0x53: {  	[sflag:s18] =	ssyncset.done $0x0  }
0x54: {  	[sflag:s18] =	ssyncadd.s32 $0xFFFFF000  }
0x55: {  	_ =	swait.ge [sflag:s18], $0x1000  }
0x56: {  	[sflag:s18] =	ssyncset.done $0x0  }
0x57: {  	[sflag:s18] =	ssyncadd.s32 $0xFFFFF000  }
0x58: {  	_ =	swait.ge [sflag:s18], $0x1000  }
0x59: {  	[sflag:s18] =	ssyncset.done $0x0  }
0x5a: {  	[sflag:s18] =	ssyncadd.s32 $0xFFFFF000  }
0x5b: {  	_ =	swait.ge [sflag:s18], $0x1000  }
0x5c: {  	[sflag:s18] =	ssyncset.done $0x0  }
0x5d: {  	s24 =	sadd.s32 s21, s6;
	[sflag:s18] =	ssyncadd.s32 $0xFFFFF000  }
0x5e: {  	[hbm4b:s24+s2] =	stream.linear.scatter [tilespmem:s10], [sflag:$0x3], $0x4000, $0x38;
	[tilespmem:$0x9400] =	vst v63  }
0x5f: {  	_ =	swait.ge [sflag:s8], $0x4000  }
0x60: {  	[sflag:s8] =	ssyncset.done $0x0  }
0x61: {  	[sflag:s8] =	ssyncadd.s32 $0xFFFFC000  }
0x62: {  	_ =	swait.ge [sflag:s19], $0x1000  }
0x63: {  	[sflag:s19] =	ssyncset.done $0x0  }
0x64: {  	[sflag:s19] =	ssyncadd.s32 $0xFFFFF000  }
0x65: {  	_ =	swait.ge [sflag:s19], $0x1000  }
0x66: {  	[sflag:s19] =	ssyncset.done $0x0  }
0x67: {  	[sflag:s19] =	ssyncadd.s32 $0xFFFFF000  }
0x68: {  	_ =	swait.ge [sflag:s19], $0x1000  }
0x69: {  	[sflag:s19] =	ssyncset.done $0x0  }
0x6a: {  	[sflag:s19] =	ssyncadd.s32 $0xFFFFF000  }
0x6b: {  	_ =	swait.ge [sflag:s19], $0x1000  }
.Ltmp0:
0x6c: {  	[sflag:s19] =	ssyncset.done $0x0;
	(pc) =	sbr.rel @p0 .LBB2_2-.Ltmp0, $4  }
0x6d: {  	s24 =	sadd.s32 s21, s7;
	s21 =	smov.u32 s23;
	[sflag:s19] =	ssyncadd.s32 $0xFFFFF000  }
0x6e: {  	[hbm4b:s24+s2] =	stream.linear.scatter [tilespmem:s14], [sflag:$0x3], $0x4000, $0x38;
	[tilespmem:$0x9400] =	vst v63  }
0x6f: {  	_ =	swait.ge [sflag:s8], $0x4000  }
0x70: {  	s24 =	smov.u32 s22;
	[sflag:s8] =	ssyncset.done $0x0  }
0x71: {  	s22 =	sshra.s32 s21, $0x2;
	[sflag:s8] =	ssyncadd.s32 $0xFFFFC000  }
0x72: {  	[tilespmem:s10], [sflag:$0x1] =	stream.indirect.gather [hbm4b:s3+s9], $0x20, s22, s9, $0xb8;
	[tilespmem:$0x9400] =	vst v63  }
0x73: {  	s23 =	sadd.s32 $0x80, s22  }
0x74: {  	[tilespmem:s11], [sflag:$0x1] =	stream.indirect.gather [hbm4b:s3+s9], $0x20, s23, s9, $0xb8;
	[tilespmem:$0x9400] =	vst v63  }
0x75: {  	s24 =	sadd.s32 $0x100, s22  }
0x76: {  	[tilespmem:s12], [sflag:$0x1] =	stream.indirect.gather [hbm4b:s3+s9], $0x20, s24, s9, $0xb8;
	[tilespmem:$0x9400] =	vst v63  }
0x77: {  	s25 =	sadd.s32 $0x180, s22  }
0x78: {  	[tilespmem:s13], [sflag:$0x1] =	stream.indirect.gather [hbm4b:s3+s9], $0x20, s25, s9, $0xb8;
	[tilespmem:$0x9400] =	vst v63  }
0x79: {  	s26 =	sadd.s32 $0x200, s22  }
0x7a: {  	[tilespmem:s14], [sflag:$0x2] =	stream.indirect.gather [hbm4b:s3+s9], $0x20, s26, s9, $0xb8;
	[tilespmem:$0x9400] =	vst v63  }
0x7b: {  	s28 =	sadd.s32 $0x280, s22  }
0x7c: {  	[tilespmem:s15], [sflag:$0x2] =	stream.indirect.gather [hbm4b:s3+s9], $0x20, s28, s9, $0xb8;
	[tilespmem:$0x9400] =	vst v63  }
0x7d: {  	s29 =	sadd.s32 $0x300, s22  }
0x7e: {  	[tilespmem:s16], [sflag:$0x2] =	stream.indirect.gather [hbm4b:s3+s9], $0x20, s29, s9, $0xb8;
	[tilespmem:$0x9400] =	vst v63  }
0x7f: {  	s22 =	sadd.s32 $0x380, s22  }
0x80: {  	[tilespmem:s17], [sflag:$0x2] =	stream.indirect.gather [hbm4b:s3+s9], $0x20, s22, s9, $0xb8;
	[tilespmem:$0x9400] =	vst v63  }
0x81: {  	_ =	swait.ge [sflag:s18], $0x1000  }
0x82: {  	[sflag:s18] =	ssyncset.done $0x0  }
0x83: {  	[sflag:s18] =	ssyncadd.s32 $0xFFFFF000  }
0x84: {  	_ =	swait.ge [sflag:s18], $0x1000  }
0x85: {  	[sflag:s18] =	ssyncset.done $0x0  }
0x86: {  	[sflag:s18] =	ssyncadd.s32 $0xFFFFF000  }
0x87: {  	_ =	swait.ge [sflag:s18], $0x1000  }
0x88: {  	[sflag:s18] =	ssyncset.done $0x0  }
0x89: {  	[sflag:s18] =	ssyncadd.s32 $0xFFFFF000  }
0x8a: {  	_ =	swait.ge [sflag:s18], $0x1000  }
0x8b: {  	[sflag:s18] =	ssyncset.done $0x0  }
0x8c: {  	s30 =	sadd.s32 s21, s6;
	[sflag:s18] =	ssyncadd.s32 $0xFFFFF000  }
0x8d: {  	[hbm4b:s30+s2] =	stream.linear.scatter [tilespmem:s10], [sflag:$0x3], $0x4000, $0x38;
	[tilespmem:$0x9400] =	vst v63  }
0x8e: {  	_ =	swait.ge [sflag:s8], $0x4000  }
0x8f: {  	[sflag:s8] =	ssyncset.done $0x0  }
0x90: {  	[sflag:s8] =	ssyncadd.s32 $0xFFFFC000  }
0x91: {  	_ =	swait.ge [sflag:s19], $0x1000  }
0x92: {  	[sflag:s19] =	ssyncset.done $0x0  }
0x93: {  	[sflag:s19] =	ssyncadd.s32 $0xFFFFF000  }
0x94: {  	_ =	swait.ge [sflag:s19], $0x1000  }
0x95: {  	[sflag:s19] =	ssyncset.done $0x0  }
0x96: {  	[sflag:s19] =	ssyncadd.s32 $0xFFFFF000  }
0x97: {  	_ =	swait.ge [sflag:s19], $0x1000  }
0x98: {  	[sflag:s19] =	ssyncset.done $0x0  }
0x99: {  	[sflag:s19] =	ssyncadd.s32 $0xFFFFF000  }
0x9a: {  	s20 =	sadd.s32 $0x1, s20;
	_ =	swait.ge [sflag:s19], $0x1000  }
0x9b: {  	p0 =	sne.s32 s20, s5;
	[sflag:s19] =	ssyncset.done $0x0  }
.Ltmp1:
0x9c: {  	s31 =	sadd.s32 s21, s7;
	[sflag:s19] =	ssyncadd.s32 $0xFFFFF000;
	(pc) =	sbr.rel @p0 .LBB2_1-.Ltmp1, $4  }
0x9d: {  	[hbm4b:s31+s2] =	stream.linear.scatter [tilespmem:s14], [sflag:$0x3], $0x4000, $0x38;
	[tilespmem:$0x9400] =	vst v63  }
0x9e: {  	_ =	swait.ge [sflag:s8], $0x4000  }
0x9f: {  	[sflag:s8] =	ssyncset.done $0x0  }
0xa0: {  	[sflag:s8] =	ssyncadd.s32 $0xFFFFC000  }
0xa1: {  	_ =	sfence.sel $0x180000  }
0xa2: {  	[bflag:$0x0] =	sbarrier.arrive $0xFFFF  }
0xa3: {  	p0 =	sne.s32 s0, $0x0;
	_ =	strace $0x90000047  }
0xa4: {  	s0 =	sadd.s32 @!p0 $0x100000, s1;
	[bflag:$0x2] =	sbarrier.arrive $0xFFFF  }
0xa5: {  	[sflag:s0] =	ssyncadd.tile.s32 @!p0 $0x1;
	_ =	shalt  }
.Lfunc_end2:
_tile_overlayer_lowered:
.L_overlay_start_2:
0xa6: {  	(tag) =	ssettag $0x2  }
0xa7: {  	s0 =	rddreg [dreg:$0x0];
	s2 =	stileid.u32  }
0xa8: {  	s1 =	rddreg [dreg:$0x1];
	p0 =	sne.s32 s2, $0x0  }
0xa9: {  	s3 =	rddreg [dreg:$0x2];
	[bflag:$0x3] =	sbarrier.arrive $0xFFFF;
	s2 =	simm.s32 @!p0 $0x1C03  }
0xaa: {  	[timem:s3], [sflag:s2] =	dma.local @!p0 [hbm:s0], s1  }
0xab: {  	s0 =	simm.s32 @!p0 $0x3  }
0xac: {  	_ =	swait.ge @!p0 [sflag:s0], s1  }
0xad: {  	s1 =	ssub.s32 @!p0 $0x0, s1;
	[sflag:s0] =	ssyncset.done @!p0 $0x0  }
0xae: {  	[sflag:s0] =	ssyncadd.s32 @!p0 s1  }
0xaf: {  	[bflag:$0x3] =	sbarrier.arrive $0xFFFF  }
0xb0: {  	_ =	shalt  }

// kernel: kernel.7.cloned.1.call-start
scs
__scs_entry_jumppad:
0x0: {  	(pc) =	sbr.rel $0x88, $3  }
0x1: {  	(tag) =	ssettag $0x0;
	lr =	simm.s32 $0x1  }
0x2: {  	[smem:$0x3F9A] =	sst lr;
	_ =	strace $0xD0000000  }
0x3: {  	_ = 	snop  }
0x4: {  	_ = 	snop  }
0x5: {  	_ = 	snop  }
0x6: {  	_ = 	snop  }
0x7: {  	_ = 	snop  }
__scs_overlays_trampoline_lowered:
0x8: {  	[smem:$0x3FA9] =	sst s0  }
0x9: {  	[smem:$0x3FAA] =	sst s1  }
0xa: {  	[smem:$0x3FAB] =	sst s2  }
0xb: {  	[smem:$0x3FAC] =	sst s3  }
0xc: {  	[smem:$0x3FAD] =	sst s4  }
0xd: {  	[smem:$0x3FAE] =	sst s5  }
0xe: {  	[smem:$0x3FAF] =	sst s6  }
0xf: {  	[smem:$0x3FB0] =	sst s7  }
0x10: {  	[smem:$0x3FB1] =	sst s8  }
0x11: {  	[smem:$0x3FB2] =	sst s9;
	s0 =	simm.s32 @!p0 $0x0  }
0x12: {  	s1 =	sld [smem:$0x3F98];
	s0 =	simm.s32 @p0 $0x1  }
0x13: {  	[smem:$0x3FB3] =	sst s0;
	s0 =	simm.s32 @!p1 $0x0  }
0x14: {  	s2 =	sld [smem:$0x3F97];
	s0 =	simm.s32 @p1 $0x1  }
0x15: {  	[smem:$0x3FB4] =	sst s0;
	s0 =	simm.s32 @!p2 $0x0  }
0x16: {  	s3 =	sld [smem:$0x3FDB];
	s0 =	simm.s32 @p2 $0x1  }
0x17: {  	s4 =	simm.s32 $0x1BF5;
	[smem:$0x3FB6] =	sst s0  }
0x18: {  	s0 =	sld [smem:$0x3F99];
	_ =	swait.ge [sflag:s4], $0x0  }
0x19: {  	s7 =	sld [smem:$0x3F9A]  }
0x1a: {  	s8 =	sadd.s32 $0xFFFFE003, lr  }
0x1b: {  	s9 =	sadd.s32 $0xFFFFFEF7, lr;
	s5 =	simm.s32 $0xFFFFFFFF;
	p2 =	slt.u32 s8, $0xFFFFF086  }
0x1c: {  	p1 =	slt.u32 s9, $0xF7A;
	s5 =	simm.s32 @!p2 $0x0  }
0x1d: {  	s5 =	simm.s32 @p1 $0x1;
	p0 =	seq.s32 s7, s2  }
0x1e: {  	s7 =	smul.u32 @!p0 $0xF7A, s2;
	p2 =	seq.s32 @!p0 s5, $0x0  }
0x1f: {  	s9 =	smul.u32 $0xF7A, s1;
	s8 =	simm.s32 @!p0 $0x1BF5;
	p2 =	por !p2, p0  }
0x20: {  	[sflag:s8] =	ssyncset.s32 @!p0 $0xFFFFF086;
	s6 =	sadd.s32 @!p0 s3, s7;
	s7 =	simm.s32 @!p0 $0x108  }
0x21: {  	s3 =	sadd.s32 s3, s9;
	s6 =	sadd.s32 @!p0 $0x88, s6;
	s7 =	simm.s32 @p2 $0x1082  }
0x22: {  	[simem:s7], [sflag:s8] =	dma.local @!p0 [hbm:s6], $0xF7A  }
0x23: {  	s9 =	sor.u32 $0xD0000000, s2;
	s6 =	simm.s32 $0x108;
	_ =	swait.ge @!p0 [sflag:s8], $0x0  }
0x24: {  	s3 =	sadd.s32 $0x88, s3;
	s6 =	simm.s32 @!p1 $0x1082;
	[sflag:s4] =	ssyncset.s32 $0xFFFFF086  }
0x25: {  	[simem:s6], [sflag:s4] =	dma.local [hbm:s3], $0xF7A  }
0x26: {  	[smem:$0x3F9A] =	sst s1;
	(tag) =	ssettag s2;
	_ =	strace s9  }
0x27: {  	s1 =	sld [smem:$0x3FAA]  }
0x28: {  	s2 =	sld [smem:$0x3FAB]  }
0x29: {  	s4 =	sld [smem:$0x3FAD]  }
0x2a: {  	p0 =	seq.s32 s5, $0x0;
	s5 =	sld [smem:$0x3FAE]  }
0x2b: {  	s6 =	sld [smem:$0x3FAF]  }
0x2c: {  	s7 =	sld [smem:$0x3FB0]  }
0x2d: {  	s3 =	simm.s32 $0x108;
	s8 =	sld [smem:$0x3FB1]  }
0x2e: {  	s3 =	simm.s32 @!p0 $0x1082;
	s9 =	sld [smem:$0x3FB2]  }
0x2f: {  	lr =	sadd.s32 s0, s3;
	s0 =	sld [smem:$0x3FA9]  }
0x30: {  	s3 =	sld [smem:$0x3FAC]  }
0x31: {  	[smem:$0x3FB5] =	sst s10  }
0x32: {  	s10 =	sld [smem:$0x3FB3];
	_ =	sdelay $0x3  }
0x33: {  	p0 =	seq.s32 s10, $0x1;
	s10 =	sld [smem:$0x3FB5];
	_ =	sdelay $0x3  }
0x34: {  	[smem:$0x3FB5] =	sst s10  }
0x35: {  	s10 =	sld [smem:$0x3FB4];
	_ =	sdelay $0x3  }
0x36: {  	p1 =	seq.s32 s10, $0x1;
	s10 =	sld [smem:$0x3FB5];
	_ =	sdelay $0x3  }
0x37: {  	[smem:$0x3FB5] =	sst s10  }
0x38: {  	s10 =	sld [smem:$0x3FB6]  }
0x39: {  	_ = 	snop;
	(pc) =	sbr.ind lr, $3  }
0x3a: {  	_ = 	snop  }
0x3b: {  	_ = 	snop  }
0x3c: {  	p2 =	seq.s32 s10, $0x1;
	s10 =	sld [smem:$0x3FB5]  }
0x3d: {  	_ =	shalt  }
0x3e: {  	_ =	shalt  }
0x3f: {  	_ =	shalt  }
0x40: {  	_ =	shalt  }
0x41: {  	_ =	shalt  }
0x42: {  	_ =	shalt  }
0x43: {  	_ =	shalt  }
0x44: {  	_ =	shalt  }
0x45: {  	_ =	shalt  }
0x46: {  	_ =	shalt  }
0x47: {  	_ =	shalt  }
0x48: {  	_ =	shalt  }
0x49: {  	_ =	shalt  }
0x4a: {  	_ =	shalt  }
0x4b: {  	_ =	shalt  }
0x4c: {  	_ =	shalt  }
0x4d: {  	_ =	shalt  }
0x4e: {  	_ =	shalt  }
0x4f: {  	_ =	shalt  }
0x50: {  	_ =	shalt  }
0x51: {  	_ =	shalt  }
0x52: {  	_ =	shalt  }
0x53: {  	_ =	shalt  }
0x54: {  	_ =	shalt  }
0x55: {  	_ =	shalt  }
0x56: {  	_ =	shalt  }
0x57: {  	_ =	shalt  }
0x58: {  	_ =	shalt  }
0x59: {  	_ =	shalt  }
0x5a: {  	_ =	shalt  }
0x5b: {  	_ =	shalt  }
0x5c: {  	_ =	shalt  }
0x5d: {  	_ =	shalt  }
0x5e: {  	_ =	shalt  }
0x5f: {  	_ =	shalt  }
0x60: {  	_ =	shalt  }
0x61: {  	_ =	shalt  }
0x62: {  	_ =	shalt  }
0x63: {  	_ =	shalt  }
0x64: {  	_ =	shalt  }
0x65: {  	_ =	shalt  }
0x66: {  	_ =	shalt  }
0x67: {  	_ =	shalt  }
0x68: {  	_ =	shalt  }
0x69: {  	_ =	shalt  }
0x6a: {  	_ =	shalt  }
0x6b: {  	_ =	shalt  }
0x6c: {  	_ =	shalt  }
0x6d: {  	_ =	shalt  }
0x6e: {  	_ =	shalt  }
0x6f: {  	_ =	shalt  }
0x70: {  	_ =	shalt  }
0x71: {  	_ =	shalt  }
0x72: {  	_ =	shalt  }
0x73: {  	_ =	shalt  }
0x74: {  	_ =	shalt  }
0x75: {  	_ =	shalt  }
0x76: {  	_ =	shalt  }
0x77: {  	_ =	shalt  }
0x78: {  	_ =	shalt  }
0x79: {  	_ =	shalt  }
0x7a: {  	_ =	shalt  }
0x7b: {  	_ =	shalt  }
0x7c: {  	_ =	shalt  }
0x7d: {  	_ =	shalt  }
0x7e: {  	_ =	shalt  }
0x7f: {  	_ =	shalt  }
0x80: {  	_ =	shalt  }
0x81: {  	_ =	shalt  }
0x82: {  	_ =	shalt  }
0x83: {  	_ =	shalt  }
0x84: {  	_ =	shalt  }
0x85: {  	_ =	shalt  }
0x86: {  	_ =	shalt  }
0x87: {  	_ =	shalt  }
.Lfunc_end0:
.L_simem_size_0:
called_computation_lowered:
.L_overlay_start_0:
0x88: {  	s2 =	sld [smem:$0x3FD9]  }
0x89: {  	s3 =	sld [smem:$0x3FFE];
	_ =	sdelay $0x1  }
0x8a: {  	s1 =	srdreg.scid  }
0x8b: {  	s0 =	sand.u32 $0x1, s1  }
0x8c: {  	s17 =	sshll.u32 s0, $0xA;
	s2 =	sadd.s32 s3, s2  }
0x8d: {  	s2 =	sadd.s32 s2, s17  }
0x8e: {  	[smem:$0x3FC1] =	sst s2  }
0x8f: {  	_ = 	snop  }
0x90: {  	(tm) =	ssettm $0x1  }
0x91: {  	s18 =	sld [smem:$0x3FFB];
	_ =	sdelay $0x3  }
0x92: {  	_ =	strace s18  }
0x93: {  	s2 =	sld [smem:$0x3FFC];
	_ =	sdelay $0x3  }
0x94: {  	_ =	strace s2  }
0x95: {  	s2 =	sld [smem:$0x3FFD];
	_ =	sdelay $0x3  }
0x96: {  	_ =	strace s2  }
0x97: {  	_ =	strace $0x8FFFFFFF  }
0x98: {  	s19 =	sld [smem:$0x3FDB];
	_ =	sdelay $0x1  }
0x99: {  	s20 =	simm.s32 $_scs_section_size  }
0x9a: {  	s4 =	simm.s32 $_size__tile_overlayer_lowered;
	s5 =	simm.s32 $_tile_overlayer_lowered  }
0x9b: {  	s6 =	simm.s32 $0x1BFF;
	s21 =	sshll.u32 s5, $0x1;
	s3 =	sadd.s32 s20, s19  }
0x9c: {  	s22 =	simm.s32 $0x0;
	s4 =	sshll.u32 s4, $0x1;
	s5 =	sadd.s32 s21, s3  }
0x9d: {  	[timem:s22], [sflag:s6] =	dma.local [hbm:s5], s4  }
0x9e: {  	_ =	swait.ge [sflag:s6], s4  }
0x9f: {  	s4 =	ssub.s32 $0x0, s4;
	[sflag:s6] =	ssyncset.done $0x0  }
0xa0: {  	[sflag:s6] =	ssyncadd.s32 s4;
	_ =	sdelay $0x1  }
0xa1: {  	s23 =	simm.s32 $0x1B8B  }
0xa2: {  	_ =	swait.ge [sflag:s23], $0x1  }
0xa3: {  	[sflag:s23] =	ssyncset.done $0x0  }
0xa4: {  	[sflag:s23] =	ssyncadd.s32 $0xFFFFFFFF  }
0xa5: {  	s4 =	sld [smem:$0x0]  }
0xa6: {  	s5 =	sand.u32 $0xFFFFFFFE, s1  }
0xa7: {  	p0 =	sne.s32 s1, s5  }
0xa8: {  	s5 =	sshll.u32 @p0 s5, $0xE  }
0xa9: {  	s5 =	sadd.s32 @p0 $0x11B8D, s5;
	s6 =	sshll.u32 @p0 s4, $0x11  }
0xaa: {  	s5 =	sor.u32 @p0 s6, s5  }
0xab: {  	[sflag:s5] =	ssyncadd.remote.s32 @p0 $0x1;
	_ =	sdelay $0x1  }
0xac: {  	s5 =	simm.s32 @p0 $0x1B8D  }
0xad: {  	_ =	swait.eq @p0 [sflag:s5], $0x1  }
0xae: {  	[sflag:s5] =	ssyncadd.s32 @p0 $0xFFFFFFFF  }
0xaf: {  	s6 =	sshll.u32 @!p0 s1, $0xE  }
0xb0: {  	s6 =	sor.u32 @!p0 $0x4000, s6;
	s5 =	simm.s32 @!p0 $0x1B8D  }
0xb1: {  	s4 =	sshll.u32 @!p0 s4, $0x11;
	s6 =	sadd.s32 @!p0 $0x11B8D, s6;
	_ =	swait.eq @!p0 [sflag:s5], $0x1  }
0xb2: {  	s4 =	sor.u32 @!p0 s4, s6;
	[sflag:s5] =	ssyncadd.s32 @!p0 $0xFFFFFFFF  }
0xb3: {  	s25 =	simm.s32 $0x1B8E;
	s24 =	sld [smem:$0x3FFE];
	[sflag:s4] =	ssyncadd.remote.s32 @!p0 $0x1  }
0xb4: {  	s26 =	simm.s32 $execute0_lowered;
	[smem:$0x3FD2] =	sst s25  }
0xb5: {  	s5 =	sshll.u32 s26, $0x1;
	_ =	strace $0x80000049;
	[dreg:$0x1] =	wrdreg $0xFFFFFFFF  }
0xb6: {  	s28 =	simm.s32 $_size_execute0_lowered;
	s3 =	sadd.s32 s3, s5;
	[dreg:$0x0] =	wrdreg $0x0  }
0xb7: {  	s5 =	sshll.u32 s28, $0x1;
	[dreg:$0x2] =	wrdreg s3  }
0xb8: {  	[dreg:$0x3] =	wrdreg s5  }
0xb9: {  	[dreg:$0x4] =	wrdreg $0xC0  }
0xba: {  	_ =	task [dreg:s22], $0x5FFFF  }
0xbb: {  	[dreg:$0x1] =	wrdreg $0xFFFFFFFF  }
0xbc: {  	[dreg:$0x0] =	wrdreg $0x60  }
0xbd: {  	[dreg:$0x2] =	wrdreg s24  }
0xbe: {  	[dreg:$0x3] =	wrdreg $0x9  }
0xbf: {  	_ =	task.clear_ibuf [dreg:s22], $0x4FFFF;
	_ =	strace $0x90000049  }
0xc0: {  	s29 =	simm.s32 $0x9;
	_ =	strace $0x8000004B  }
0xc1: {  	_ =	swait.ge [sflag:s29], $0x1  }
0xc2: {  	[sflag:s29] =	ssyncadd.s32 $0xFFFFFFFF  }
0xc3: {  	_ =	strace $0x9000004B  }
0xc4: {  	_ =	sfence  }
0xc5: {  	s30 =	sld [smem:$0x0];
	_ =	sdelay $0x2  }
0xc6: {  	s31 =	sshll.u32 s1, $0xD;
	s1 =	sshrl.u32 s1, $0x2  }
0xc7: {  	s4 =	sand.u32 $0x4000, s31;
	s1 =	sadd.s32 s1, s30  }
0xc8: {  	s0 =	sor.u32 s4, s0;
	s1 =	sshll.u32 s1, $0x11  }
0xc9: {  	s0 =	sor.u32 s1, s0  }
0xca: {  	s0 =	sadd.s32 $0x8F2B, s0  }
0xcb: {  	[sflag:s0] =	ssyncadd.remote.s32 $0x1  }
0xcc: {  	_ =	sfence.sel $0xFFFF  }
0xcd: {  	[dreg:$0x0] =	wrdreg $0xFFFFFFFF;
	(pc) =	sbr.abs _section_cstart, $3  }
0xce: {  	[dreg:$0x1] =	wrdreg $0xFFFFFFFF  }
0xcf: {  	_ =	task.clear_ibuf [dreg:s22], $0x2FFFF;
	_ =	strace $0x9FFFFFFF  }
0xd0: {  	(tm) =	ssettm $0x7FFFFFFF  }
0xd1: {  	_ =	shalt  }
tec
execute0_lowered:
.L_overlay_start_1:
0x0: {  	(tag) =	ssettag $0x1  }
0x1: {  	s4 =	rddreg [dreg:$0x0];
	s2 =	srdreg.scid  }
0x2: {  	s0 =	rddreg [dreg:$0x1];
	s1 =	stileid.u32  }
0x3: {  	s10 =	simm.s32 $0x2000;
	s11 =	simm.s32 $0x3000;
	s12 =	simm.s32 $0x4000  }
0x4: {  	s13 =	simm.s32 $0x5000;
	s14 =	simm.s32 $0x6000;
	s15 =	simm.s32 $0x7000  }
0x5: {  	s16 =	simm.s32 $0x8000;
	s17 =	simm.s32 $0x9000;
	s18 =	simm.s32 $0x1  }
0x6: {  	s19 =	simm.s32 $0x2;
	s20 =	simm.s32 $0x0;
	s5 =	sand.u32 $0x1, s2  }
0x7: {  	s2 =	simm.s32 $0x0;
	s3 =	sshll.u32 s1, $0xB;
	s8 =	sshll.u32 s1, $0x13  }
0x8: {  	s9 =	sadd.s32 $0xC90600, s4;
	s6 =	sshll.u32 s5, $0xA;
	[smem:$0x7FF] =	sst s2  }
0x9: {  	s7 =	ssub.s32 $0x2, s5;
	s5 =	sshll.u32 s5, $0x12;
	s3 =	sor.u32 s6, s3  }
0xa: {  	_ =	strace $0x8000004A;
	s26 =	sshrl.u32 s7, $0x1;
	s8 =	sor.u32 s5, s8  }
0xb: {  	s6 =	sadd.s32 s3, s4;
	s3 =	sadd.s32 $0x538600, s4;
	s28 =	ssub.s32 s7, s26  }
0xc: {  	s29 =	sor.u32 $0x4000, s8;
	s30 =	sshrl.u32 s8, $0x3;
	s8 =	simm.s32 $0x3  }
0xd: {  	s4 =	sadd.s32 $0xC88600, s6;
	s5 =	smax.u32 s28, $0x1;
	s31 =	sshrl.u32 s29, $0x3  }
0xe: {  	s6 =	sadd.s32 s30, s9;
	s7 =	sadd.s32 s31, s9;
	s9 =	simm.s32 $0x80  }
.LBB2_1:
0xf: {  	[tilespmem:s2], [sflag:$0x3] =	stream.linear.gather [hbm4b:s4+s2], $0x2000, $0x38;
	[tilespmem:$0xA000] =	vst v63  }
0x10: {  	_ =	swait.ge [sflag:s8], $0x2000  }
0x11: {  	[sflag:s8] =	ssyncset.done $0x0  }
0x12: {  	s21 =	simm.s32 $0x0;
	[sflag:s8] =	ssyncadd.s32 $0xFFFFE000  }
0x13: {  	[tilespmem:s10], [sflag:$0x1] =	stream.indirect.gather [hbm4b:s3+s9], $0x20, s21, s9, $0xb8;
	[tilespmem:$0xA000] =	vst v63  }
0x14: {  	s22 =	simm.s32 $0x80  }
0x15: {  	[tilespmem:s11], [sflag:$0x1] =	stream.indirect.gather [hbm4b:s3+s9], $0x20, s22, s9, $0xb8;
	[tilespmem:$0xA000] =	vst v63  }
0x16: {  	s23 =	simm.s32 $0x100  }
0x17: {  	[tilespmem:s12], [sflag:$0x1] =	stream.indirect.gather [hbm4b:s3+s9], $0x20, s23, s9, $0xb8;
	[tilespmem:$0xA000] =	vst v63  }
0x18: {  	s24 =	simm.s32 $0x180  }
0x19: {  	[tilespmem:s13], [sflag:$0x1] =	stream.indirect.gather [hbm4b:s3+s9], $0x20, s24, s9, $0xb8;
	[tilespmem:$0xA000] =	vst v63  }
0x1a: {  	s25 =	simm.s32 $0x200  }
0x1b: {  	[tilespmem:s14], [sflag:$0x2] =	stream.indirect.gather [hbm4b:s3+s9], $0x20, s25, s9, $0xb8;
	[tilespmem:$0xA000] =	vst v63  }
0x1c: {  	s26 =	simm.s32 $0x280  }
0x1d: {  	[tilespmem:s15], [sflag:$0x2] =	stream.indirect.gather [hbm4b:s3+s9], $0x20, s26, s9, $0xb8;
	[tilespmem:$0xA000] =	vst v63  }
0x1e: {  	s28 =	simm.s32 $0x300  }
0x1f: {  	[tilespmem:s16], [sflag:$0x2] =	stream.indirect.gather [hbm4b:s3+s9], $0x20, s28, s9, $0xb8;
	[tilespmem:$0xA000] =	vst v63  }
0x20: {  	s29 =	simm.s32 $0x380  }
0x21: {  	[tilespmem:s17], [sflag:$0x2] =	stream.indirect.gather [hbm4b:s3+s9], $0x20, s29, s9, $0xb8;
	[tilespmem:$0xA000] =	vst v63  }
0x22: {  	_ =	swait.ge [sflag:s18], $0x1000  }
0x23: {  	[sflag:s18] =	ssyncset.done $0x0  }
0x24: {  	[sflag:s18] =	ssyncadd.s32 $0xFFFFF000  }
0x25: {  	_ =	swait.ge [sflag:s18], $0x1000  }
0x26: {  	[sflag:s18] =	ssyncset.done $0x0  }
0x27: {  	[sflag:s18] =	ssyncadd.s32 $0xFFFFF000  }
0x28: {  	_ =	swait.ge [sflag:s18], $0x1000  }
0x29: {  	[sflag:s18] =	ssyncset.done $0x0  }
0x2a: {  	[sflag:s18] =	ssyncadd.s32 $0xFFFFF000  }
0x2b: {  	_ =	swait.ge [sflag:s18], $0x1000  }
0x2c: {  	[sflag:s18] =	ssyncset.done $0x0  }
0x2d: {  	s30 =	sadd.s32 $0x0, s6;
	[sflag:s18] =	ssyncadd.s32 $0xFFFFF000  }
0x2e: {  	[hbm4b:s30+s2] =	stream.linear.scatter [tilespmem:s10], [sflag:$0x3], $0x4000, $0x38;
	[tilespmem:$0xA000] =	vst v63  }
0x2f: {  	_ =	swait.ge [sflag:s8], $0x4000  }
0x30: {  	[sflag:s8] =	ssyncset.done $0x0  }
0x31: {  	[sflag:s8] =	ssyncadd.s32 $0xFFFFC000  }
0x32: {  	_ =	swait.ge [sflag:s19], $0x1000  }
0x33: {  	[sflag:s19] =	ssyncset.done $0x0  }
0x34: {  	[sflag:s19] =	ssyncadd.s32 $0xFFFFF000  }
0x35: {  	_ =	swait.ge [sflag:s19], $0x1000  }
0x36: {  	[sflag:s19] =	ssyncset.done $0x0  }
0x37: {  	[sflag:s19] =	ssyncadd.s32 $0xFFFFF000  }
0x38: {  	_ =	swait.ge [sflag:s19], $0x1000  }
0x39: {  	[sflag:s19] =	ssyncset.done $0x0  }
0x3a: {  	[sflag:s19] =	ssyncadd.s32 $0xFFFFF000  }
0x3b: {  	_ =	swait.ge [sflag:s19], $0x1000  }
0x3c: {  	[sflag:s19] =	ssyncset.done $0x0  }
0x3d: {  	s31 =	sadd.s32 $0x0, s7;
	[sflag:s19] =	ssyncadd.s32 $0xFFFFF000  }
0x3e: {  	[hbm4b:s31+s2] =	stream.linear.scatter [tilespmem:s14], [sflag:$0x3], $0x4000, $0x38;
	[tilespmem:$0xA000] =	vst v63  }
0x3f: {  	_ =	swait.ge [sflag:s8], $0x4000  }
0x40: {  	s21 =	simm.s32 $0x1000;
	s24 =	simm.s32 $0x2000;
	[sflag:s8] =	ssyncset.done $0x0  }
.LBB2_2:
0x41: {  	s25 =	sshra.s32 s21, $0x2  }
0x42: {  	[sflag:s8] =	ssyncadd.s32 $0xFFFFC000;
	s23 =	smov.u32 s24;
	s22 =	sadd.s32 $0x1000, s24  }
0x43: {  	[tilespmem:s10], [sflag:$0x1] =	stream.indirect.gather [hbm4b:s3+s9], $0x20, s25, s9, $0xb8;
	[tilespmem:$0xA000] =	vst v63  }
0x44: {  	p0 =	sne.s32 s24, $0x7000;
	s24 =	sadd.s32 $0x80, s25  }
0x45: {  	[tilespmem:s11], [sflag:$0x1] =	stream.indirect.gather [hbm4b:s3+s9], $0x20, s24, s9, $0xb8;
	[tilespmem:$0xA000] =	vst v63  }
0x46: {  	s24 =	sadd.s32 $0x100, s25  }
0x47: {  	[tilespmem:s12], [sflag:$0x1] =	stream.indirect.gather [hbm4b:s3+s9], $0x20, s24, s9, $0xb8;
	[tilespmem:$0xA000] =	vst v63  }
0x48: {  	s24 =	sadd.s32 $0x180, s25  }
0x49: {  	[tilespmem:s13], [sflag:$0x1] =	stream.indirect.gather [hbm4b:s3+s9], $0x20, s24, s9, $0xb8;
	[tilespmem:$0xA000] =	vst v63  }
0x4a: {  	s24 =	sadd.s32 $0x200, s25  }
0x4b: {  	[tilespmem:s14], [sflag:$0x2] =	stream.indirect.gather [hbm4b:s3+s9], $0x20, s24, s9, $0xb8;
	[tilespmem:$0xA000] =	vst v63  }
0x4c: {  	s24 =	sadd.s32 $0x280, s25  }
0x4d: {  	[tilespmem:s15], [sflag:$0x2] =	stream.indirect.gather [hbm4b:s3+s9], $0x20, s24, s9, $0xb8;
	[tilespmem:$0xA000] =	vst v63  }
0x4e: {  	s24 =	sadd.s32 $0x300, s25  }
0x4f: {  	[tilespmem:s16], [sflag:$0x2] =	stream.indirect.gather [hbm4b:s3+s9], $0x20, s24, s9, $0xb8;
	[tilespmem:$0xA000] =	vst v63  }
0x50: {  	s24 =	sadd.s32 $0x380, s25  }
0x51: {  	[tilespmem:s17], [sflag:$0x2] =	stream.indirect.gather [hbm4b:s3+s9], $0x20, s24, s9, $0xb8;
	[tilespmem:$0xA000] =	vst v63  }
0x52: {  	_ =	swait.ge [sflag:s18], $0x1000  }
0x53: {  	[sflag:s18] =	ssyncset.done $0x0  }
0x54: {  	[sflag:s18] =	ssyncadd.s32 $0xFFFFF000  }
0x55: {  	_ =	swait.ge [sflag:s18], $0x1000  }
0x56: {  	[sflag:s18] =	ssyncset.done $0x0  }
0x57: {  	[sflag:s18] =	ssyncadd.s32 $0xFFFFF000  }
0x58: {  	_ =	swait.ge [sflag:s18], $0x1000  }
0x59: {  	[sflag:s18] =	ssyncset.done $0x0  }
0x5a: {  	[sflag:s18] =	ssyncadd.s32 $0xFFFFF000  }
0x5b: {  	_ =	swait.ge [sflag:s18], $0x1000  }
0x5c: {  	[sflag:s18] =	ssyncset.done $0x0  }
0x5d: {  	s24 =	sadd.s32 s21, s6;
	[sflag:s18] =	ssyncadd.s32 $0xFFFFF000  }
0x5e: {  	[hbm4b:s24+s2] =	stream.linear.scatter [tilespmem:s10], [sflag:$0x3], $0x4000, $0x38;
	[tilespmem:$0xA000] =	vst v63  }
0x5f: {  	_ =	swait.ge [sflag:s8], $0x4000  }
0x60: {  	[sflag:s8] =	ssyncset.done $0x0  }
0x61: {  	[sflag:s8] =	ssyncadd.s32 $0xFFFFC000  }
0x62: {  	_ =	swait.ge [sflag:s19], $0x1000  }
0x63: {  	[sflag:s19] =	ssyncset.done $0x0  }
0x64: {  	[sflag:s19] =	ssyncadd.s32 $0xFFFFF000  }
0x65: {  	_ =	swait.ge [sflag:s19], $0x1000  }
0x66: {  	[sflag:s19] =	ssyncset.done $0x0  }
0x67: {  	[sflag:s19] =	ssyncadd.s32 $0xFFFFF000  }
0x68: {  	_ =	swait.ge [sflag:s19], $0x1000  }
0x69: {  	[sflag:s19] =	ssyncset.done $0x0  }
0x6a: {  	[sflag:s19] =	ssyncadd.s32 $0xFFFFF000  }
0x6b: {  	_ =	swait.ge [sflag:s19], $0x1000  }
.Ltmp0:
0x6c: {  	[sflag:s19] =	ssyncset.done $0x0;
	(pc) =	sbr.rel @p0 .LBB2_2-.Ltmp0, $4  }
0x6d: {  	s24 =	sadd.s32 s21, s7;
	s21 =	smov.u32 s23;
	[sflag:s19] =	ssyncadd.s32 $0xFFFFF000  }
0x6e: {  	[hbm4b:s24+s2] =	stream.linear.scatter [tilespmem:s14], [sflag:$0x3], $0x4000, $0x38;
	[tilespmem:$0xA000] =	vst v63  }
0x6f: {  	_ =	swait.ge [sflag:s8], $0x4000  }
0x70: {  	s24 =	smov.u32 s22;
	[sflag:s8] =	ssyncset.done $0x0  }
0x71: {  	s22 =	sshra.s32 s21, $0x2;
	[sflag:s8] =	ssyncadd.s32 $0xFFFFC000  }
0x72: {  	[tilespmem:s10], [sflag:$0x1] =	stream.indirect.gather [hbm4b:s3+s9], $0x20, s22, s9, $0xb8;
	[tilespmem:$0xA000] =	vst v63  }
0x73: {  	s23 =	sadd.s32 $0x80, s22  }
0x74: {  	[tilespmem:s11], [sflag:$0x1] =	stream.indirect.gather [hbm4b:s3+s9], $0x20, s23, s9, $0xb8;
	[tilespmem:$0xA000] =	vst v63  }
0x75: {  	s24 =	sadd.s32 $0x100, s22  }
0x76: {  	[tilespmem:s12], [sflag:$0x1] =	stream.indirect.gather [hbm4b:s3+s9], $0x20, s24, s9, $0xb8;
	[tilespmem:$0xA000] =	vst v63  }
0x77: {  	s25 =	sadd.s32 $0x180, s22  }
0x78: {  	[tilespmem:s13], [sflag:$0x1] =	stream.indirect.gather [hbm4b:s3+s9], $0x20, s25, s9, $0xb8;
	[tilespmem:$0xA000] =	vst v63  }
0x79: {  	s26 =	sadd.s32 $0x200, s22  }
0x7a: {  	[tilespmem:s14], [sflag:$0x2] =	stream.indirect.gather [hbm4b:s3+s9], $0x20, s26, s9, $0xb8;
	[tilespmem:$0xA000] =	vst v63  }
0x7b: {  	s28 =	sadd.s32 $0x280, s22  }
0x7c: {  	[tilespmem:s15], [sflag:$0x2] =	stream.indirect.gather [hbm4b:s3+s9], $0x20, s28, s9, $0xb8;
	[tilespmem:$0xA000] =	vst v63  }
0x7d: {  	s29 =	sadd.s32 $0x300, s22  }
0x7e: {  	[tilespmem:s16], [sflag:$0x2] =	stream.indirect.gather [hbm4b:s3+s9], $0x20, s29, s9, $0xb8;
	[tilespmem:$0xA000] =	vst v63  }
0x7f: {  	s22 =	sadd.s32 $0x380, s22  }
0x80: {  	[tilespmem:s17], [sflag:$0x2] =	stream.indirect.gather [hbm4b:s3+s9], $0x20, s22, s9, $0xb8;
	[tilespmem:$0xA000] =	vst v63  }
0x81: {  	_ =	swait.ge [sflag:s18], $0x1000  }
0x82: {  	[sflag:s18] =	ssyncset.done $0x0  }
0x83: {  	[sflag:s18] =	ssyncadd.s32 $0xFFFFF000  }
0x84: {  	_ =	swait.ge [sflag:s18], $0x1000  }
0x85: {  	[sflag:s18] =	ssyncset.done $0x0  }
0x86: {  	[sflag:s18] =	ssyncadd.s32 $0xFFFFF000  }
0x87: {  	_ =	swait.ge [sflag:s18], $0x1000  }
0x88: {  	[sflag:s18] =	ssyncset.done $0x0  }
0x89: {  	[sflag:s18] =	ssyncadd.s32 $0xFFFFF000  }
0x8a: {  	_ =	swait.ge [sflag:s18], $0x1000  }
0x8b: {  	[sflag:s18] =	ssyncset.done $0x0  }
0x8c: {  	s30 =	sadd.s32 s21, s6;
	[sflag:s18] =	ssyncadd.s32 $0xFFFFF000  }
0x8d: {  	[hbm4b:s30+s2] =	stream.linear.scatter [tilespmem:s10], [sflag:$0x3], $0x4000, $0x38;
	[tilespmem:$0xA000] =	vst v63  }
0x8e: {  	_ =	swait.ge [sflag:s8], $0x4000  }
0x8f: {  	[sflag:s8] =	ssyncset.done $0x0  }
0x90: {  	[sflag:s8] =	ssyncadd.s32 $0xFFFFC000  }
0x91: {  	_ =	swait.ge [sflag:s19], $0x1000  }
0x92: {  	[sflag:s19] =	ssyncset.done $0x0  }
0x93: {  	[sflag:s19] =	ssyncadd.s32 $0xFFFFF000  }
0x94: {  	_ =	swait.ge [sflag:s19], $0x1000  }
0x95: {  	[sflag:s19] =	ssyncset.done $0x0  }
0x96: {  	[sflag:s19] =	ssyncadd.s32 $0xFFFFF000  }
0x97: {  	_ =	swait.ge [sflag:s19], $0x1000  }
0x98: {  	[sflag:s19] =	ssyncset.done $0x0  }
0x99: {  	[sflag:s19] =	ssyncadd.s32 $0xFFFFF000  }
0x9a: {  	s20 =	sadd.s32 $0x1, s20;
	_ =	swait.ge [sflag:s19], $0x1000  }
0x9b: {  	p0 =	sne.s32 s20, s5;
	[sflag:s19] =	ssyncset.done $0x0  }
.Ltmp1:
0x9c: {  	s31 =	sadd.s32 s21, s7;
	[sflag:s19] =	ssyncadd.s32 $0xFFFFF000;
	(pc) =	sbr.rel @p0 .LBB2_1-.Ltmp1, $4  }
0x9d: {  	[hbm4b:s31+s2] =	stream.linear.scatter [tilespmem:s14], [sflag:$0x3], $0x4000, $0x38;
	[tilespmem:$0xA000] =	vst v63  }
0x9e: {  	_ =	swait.ge [sflag:s8], $0x4000  }
0x9f: {  	[sflag:s8] =	ssyncset.done $0x0  }
0xa0: {  	[sflag:s8] =	ssyncadd.s32 $0xFFFFC000  }
0xa1: {  	_ =	sfence.sel $0x180000  }
0xa2: {  	[bflag:$0x0] =	sbarrier.arrive $0xFFFF  }
0xa3: {  	p0 =	sne.s32 s1, $0x0;
	_ =	strace $0x9000004A  }
0xa4: {  	s0 =	sadd.s32 @!p0 $0x100000, s0;
	[bflag:$0x2] =	sbarrier.arrive $0xFFFF  }
0xa5: {  	[sflag:s0] =	ssyncadd.tile.s32 @!p0 $0x1;
	_ =	shalt  }
.Lfunc_end2:
_tile_overlayer_lowered:
.L_overlay_start_2:
0xa6: {  	(tag) =	ssettag $0x2  }
0xa7: {  	s0 =	rddreg [dreg:$0x0];
	s2 =	stileid.u32  }
0xa8: {  	s1 =	rddreg [dreg:$0x1];
	p0 =	sne.s32 s2, $0x0  }
0xa9: {  	s3 =	rddreg [dreg:$0x2];
	[bflag:$0x3] =	sbarrier.arrive $0xFFFF;
	s2 =	simm.s32 @!p0 $0x1C03  }
0xaa: {  	[timem:s3], [sflag:s2] =	dma.local @!p0 [hbm:s0], s1  }
0xab: {  	s0 =	simm.s32 @!p0 $0x3  }
0xac: {  	_ =	swait.ge @!p0 [sflag:s0], s1  }
0xad: {  	s1 =	ssub.s32 @!p0 $0x0, s1;
	[sflag:s0] =	ssyncset.done @!p0 $0x0  }
0xae: {  	[sflag:s0] =	ssyncadd.s32 @!p0 s1  }
0xaf: {  	[bflag:$0x3] =	sbarrier.arrive $0xFFFF  }
0xb0: {  	_ =	shalt  }

</sc_bundles>
